<compile_context>
chip_gen: v7x
topology: tpu7x:2x2x1
jax: 0.10.2.dev20260603
libtpu: 0.0.44.dev20260713+nightly
codegen_flags: <defaults>
</compile_context>

<pallas_src>
import functools

import jax
import jax.numpy as jnp
from jax import lax
from jax.experimental import pallas as pl
from jax.experimental.pallas import tpu as pltpu
from jax.experimental.pallas import tpu_sc as plsc

_NUM_FIELDS = 26
_FIELD_DIM = 100000
_BATCH = 4096
_LANES = 16
_NC = 2
_NS = 16
_NW = _NC * _NS
_BPW = _BATCH // _NW
_NCHUNK = 4
_CB = _BPW // _NCHUNK
_CIDX = _NUM_FIELDS * _CB
_NIDX = _NUM_FIELDS * _BPW


def _make_sc_kernel():
    mesh = plsc.VectorSubcoreMesh(core_axis_name="c", subcore_axis_name="s")

    @functools.partial(
        pl.kernel,
        mesh=mesh,
        compiler_params=pltpu.CompilerParams(skip_device_barrier=True),
        out_type=jax.ShapeDtypeStruct((_BATCH,), jnp.float32),
        scratch_types=[
            pltpu.VMEM((_NUM_FIELDS, _BPW), jnp.int32),
            pltpu.VMEM((_NIDX,), jnp.int32),
            pltpu.VMEM((_NIDX,), jnp.float32),
            pltpu.VMEM((_BPW,), jnp.float32),
            pltpu.VMEM((_LANES,), jnp.float32),
            [pltpu.SemaphoreType.DMA] * _NCHUNK,
        ],
    )
    def k(xt_hbm, table_hbm, bias_hbm, out_hbm,
          xb_v, idx_v, rows_v, ob_v, bias_v, sems):
        wid = lax.axis_index("s") * _NC + lax.axis_index("c")
        base = wid * _BPW
        pltpu.sync_copy(xt_hbm.at[:, pl.ds(base, _BPW)], xb_v)
        pltpu.sync_copy(bias_hbm, bias_v)
        bias_vec = bias_v[...]
        nq = _CB // _LANES

        copies = []
        for chunk in range(_NCHUNK):
            cbase = chunk * _CIDX

            def build(f, carry, chunk=chunk, cbase=cbase):
                off = f * _FIELD_DIM
                for q in range(nq):
                    idx_v[pl.ds(cbase + f * _CB + q * _LANES, _LANES)] = (
                        xb_v[f, pl.ds(chunk * _CB + q * _LANES, _LANES)] + off)
                return carry

            lax.fori_loop(0, _NUM_FIELDS, build, 0)
            copies.append(pltpu.async_copy(
                table_hbm.at[idx_v.at[pl.ds(cbase, _CIDX)]],
                rows_v.at[pl.ds(cbase, _CIDX)], sems[chunk]))

        for chunk in range(_NCHUNK):
            cbase = chunk * _CIDX
            copies[chunk].wait()

            def accum(f, accs, cbase=cbase):
                return tuple(
                    accs[q] + rows_v[pl.ds(cbase + f * _CB + q * _LANES,
                                           _LANES)]
                    for q in range(nq)
                )

            accs = lax.fori_loop(0, _NUM_FIELDS, accum, (bias_vec,) * nq)
            for q in range(nq):
                ob_v[pl.ds(chunk * _CB + q * _LANES, _LANES)] = (
                    1.0 / (1.0 + jnp.exp(-accs[q])))
        pltpu.sync_copy(ob_v, out_hbm.at[pl.ds(base, _BPW)])

    return k


_sc_kernel = _make_sc_kernel()


@jax.jit
def kernel(x, table, bias):
    bias16 = jnp.broadcast_to(bias, (_LANES,))
    return _sc_kernel(x.T, table.reshape(-1), bias16)

# --- scband reference (transcript-rebuilt; emitter-appended) ---
"""Pipeline reference for scband-lr-90752658964518 (READ-ONLY COPY).

The authoritative reference and input builder live on the scoring server;
editing this copy changes nothing except your own understanding.
"""

import jax, jax.numpy as jnp
import numpy as np

FIELD_DIMS = [100000] * 26
OFFSETS = np.array((0, *np.cumsum(FIELD_DIMS)[:-1]), dtype=np.int32)
BATCH = 4096


def setup_inputs(seed: int = 0) -> dict:
    key = jax.random.key(seed)
    k1, k2 = jax.random.split(key)
    x = jax.random.randint(k1, (BATCH, len(FIELD_DIMS)), 0, 100000, dtype=jnp.int32)
    table = jax.random.normal(k2, (int(sum(FIELD_DIMS)), 1), dtype=jnp.float32) * 0.01
    bias = jnp.zeros((1,), dtype=jnp.float32)
    return {"x": x, "table": table, "bias": bias}


def reference(x, table, bias):
    # FeaturesLinear: offset indices into a single flat table, embedding lookup,
    # sum over fields, add bias; LR then applies sigmoid and squeezes.
    idx = x + jnp.asarray(OFFSETS, dtype=x.dtype)[None, :]          # (B, F)
    emb = jnp.take(table, idx, axis=0)                               # (B, F, 1)
    lin = jnp.sum(emb, axis=1) + bias                                # (B, 1)
    return jax.nn.sigmoid(lin.squeeze(1))                            # (B,)

if __name__ == "__main__":
    import jax
    _d = setup_inputs()
    print(jax.jit(kernel)(*tuple(_d.values())))

</pallas_src>

<mosaic_0001>
#map = affine_map<(d0, d1) -> (0, 0)>
#map1 = affine_map<(d0, d1) -> (0)>
module attributes {stable_mosaic.version = 14 : i64} {
  func.func @k(%arg0: i32, %arg1: i32, %arg2: memref<26x4096xi32, #tpu.memory_space<hbm>>, %arg3: memref<2600000xf32, #tpu.memory_space<hbm>>, %arg4: memref<16xf32, #tpu.memory_space<hbm>>, %arg5: memref<4096xf32, #tpu.memory_space<hbm>>, %arg6: memref<26x128xi32, #tpu.memory_space<vmem>>, %arg7: memref<3328xi32, #tpu.memory_space<vmem>>, %arg8: memref<3328xf32, #tpu.memory_space<vmem>>, %arg9: memref<128xf32, #tpu.memory_space<vmem>>, %arg10: memref<16xf32, #tpu.memory_space<vmem>>, %arg11: memref<!tpu.dma_semaphore, #tpu.memory_space<semaphore_mem>>, %arg12: memref<!tpu.dma_semaphore, #tpu.memory_space<semaphore_mem>>, %arg13: memref<!tpu.dma_semaphore, #tpu.memory_space<semaphore_mem>>, %arg14: memref<!tpu.dma_semaphore, #tpu.memory_space<semaphore_mem>>) attributes {dimension_semantics = [#tpu.dimension_semantics<core_parallel>, #tpu.dimension_semantics<subcore_parallel>], iteration_bounds = array<i64: 2, 16>, scalar_prefetch = 0 : i64, scratch_operands = 9 : i64, tpu.core_type = #tpu.core_type<sc_vector_subcore>, window_params = [{transform_indices = #map}, {transform_indices = #map1}, {transform_indices = #map1}, {transform_indices = #map1}]} {
    %mul3A = arith.constant 2 : i32
    %mul3A_0 = arith.muli %arg1, %mul3A : i32
    %add3A = arith.addi %mul3A_0, %arg0 : i32
    %mul3A_1 = arith.constant 128 : i32
    %mul3A_2 = arith.muli %add3A, %mul3A_1 : i32
    "tpu.region"() ({
      %run_scoped3A = tpu.sem_alloc : memref<!tpu.dma_semaphore, #tpu.memory_space<semaphore_mem>>
      %dma_start3A_206 = arith.constant 0 : i32
      %dma_start3A_207 = tpu.memref_slice %arg2[%dma_start3A_206, %mul3A_2] : memref<26x4096xi32, #tpu.memory_space<hbm>> -> memref<26x128xi32, #tpu.memory_space<hbm>>
      %dma_start3A_208 = arith.constant 0 : i32
      %dma_start3A_209 = tpu.memref_slice %arg2[%dma_start3A_208, %mul3A_2] : memref<26x4096xi32, #tpu.memory_space<hbm>> -> memref<26x128xi32, #tpu.memory_space<hbm>>
      tpu.enqueue_dma source(%dma_start3A_209 : memref<26x128xi32, #tpu.memory_space<hbm>>) target(%arg6 : memref<26x128xi32, #tpu.memory_space<vmem>>) target_semaphore(%run_scoped3A : memref<!tpu.dma_semaphore, #tpu.memory_space<semaphore_mem>>)
      %dma_wait3A_210 = arith.constant 0 : i32
      %dma_wait3A_211 = tpu.memref_slice %arg2[%dma_wait3A_210, %mul3A_2] : memref<26x4096xi32, #tpu.memory_space<hbm>> -> memref<26x128xi32, #tpu.memory_space<hbm>>
      %dma_wait3A_212 = arith.constant 0 : i32
      %dma_wait3A_213 = tpu.memref_slice %arg2[%dma_wait3A_212, %mul3A_2] : memref<26x4096xi32, #tpu.memory_space<hbm>> -> memref<26x128xi32, #tpu.memory_space<hbm>>
      tpu.wait_dma2 semaphore(%run_scoped3A : memref<!tpu.dma_semaphore, #tpu.memory_space<semaphore_mem>>) src(%dma_wait3A_213 : memref<26x128xi32, #tpu.memory_space<hbm>>) dst(%arg6 : memref<26x128xi32, #tpu.memory_space<vmem>>)
      tpu.yield
    }) : () -> ()
    "tpu.region"() ({
      %run_scoped3A = tpu.sem_alloc : memref<!tpu.dma_semaphore, #tpu.memory_space<semaphore_mem>>
      tpu.enqueue_dma source(%arg4 : memref<16xf32, #tpu.memory_space<hbm>>) target(%arg10 : memref<16xf32, #tpu.memory_space<vmem>>) target_semaphore(%run_scoped3A : memref<!tpu.dma_semaphore, #tpu.memory_space<semaphore_mem>>)
      tpu.wait_dma2 semaphore(%run_scoped3A : memref<!tpu.dma_semaphore, #tpu.memory_space<semaphore_mem>>) src(%arg4 : memref<16xf32, #tpu.memory_space<hbm>>) dst(%arg10 : memref<16xf32, #tpu.memory_space<vmem>>)
      tpu.yield
    }) : () -> ()
    %get3A = arith.constant 0 : index
    %get3A_3 = tpu.vector_load %arg10[%get3A] {strides = array<i32>} : memref<16xf32, #tpu.memory_space<vmem>>, vector<16xf32>,
    %get3A_4 = vector.shape_cast %get3A_3 : vector<16xf32> to vector<16xf32>
    %scan3A = arith.constant 0 : i32
    %scan3A_5 = arith.constant 0 : i32
    %scan3A_6 = arith.constant 26 : i32
    %scan3A_7 = arith.addi %scan3A_5, %scan3A_6 : i32
    %scan3A_8 = arith.constant 1 : i32
    scf.for %scan3A_206 = %scan3A_5 to %scan3A_7 step %scan3A_8  : i32 {
      %mul3A_207 = arith.constant 100000 : i32
      %mul3A_208 = arith.muli %scan3A_206, %mul3A_207 : i32
      %get3A_209 = arith.index_cast %scan3A_206 : i32 to index
      %get3A_210 = arith.constant 0 : index
      %get3A_211 = tpu.vector_load %arg6[%get3A_209, %get3A_210] {strides = array<i32>} : memref<26x128xi32, #tpu.memory_space<vmem>>, vector<1x16xi32>,
      %get3A_212 = vector.shape_cast %get3A_211 : vector<1x16xi32> to vector<16xi32>
      %add3A_213 = vector.broadcast %mul3A_208 : i32 to vector<16xi32>
      %add3A_214 = arith.addi %get3A_212, %add3A_213 : vector<16xi32>
      %mul3A_215 = arith.constant 32 : i32
      %mul3A_216 = arith.muli %scan3A_206, %mul3A_215 : i32
      %add3A_217 = arith.constant 0 : i32
      %add3A_218 = arith.addi %add3A_217, %mul3A_216 : i32
      %add3A_219 = arith.constant 0 : i32
      %add3A_220 = arith.addi %add3A_218, %add3A_219 : i32
      %swap3A_221 = arith.index_cast %add3A_220 : i32 to index
      %swap3A_222 = tpu.vector_load %arg7[%swap3A_221] {strides = array<i32>} : memref<3328xi32, #tpu.memory_space<vmem>>, vector<16xi32>,
      %swap3A_223 = vector.shape_cast %swap3A_222 : vector<16xi32> to vector<16xi32>
      %swap3A_224 = vector.shape_cast %add3A_214 : vector<16xi32> to vector<16xi32>
      tpu.vector_store %arg7[%swap3A_221], %swap3A_224 {strides = array<i32>} : memref<3328xi32, #tpu.memory_space<vmem>>, vector<16xi32>,
      %get3A_225 = arith.index_cast %scan3A_206 : i32 to index
      %get3A_226 = arith.constant 16 : index
      %get3A_227 = tpu.vector_load %arg6[%get3A_225, %get3A_226] {strides = array<i32>} : memref<26x128xi32, #tpu.memory_space<vmem>>, vector<1x16xi32>,
      %get3A_228 = vector.shape_cast %get3A_227 : vector<1x16xi32> to vector<16xi32>
      %add3A_229 = vector.broadcast %mul3A_208 : i32 to vector<16xi32>
      %add3A_230 = arith.addi %get3A_228, %add3A_229 : vector<16xi32>
      %mul3A_231 = arith.constant 32 : i32
      %mul3A_232 = arith.muli %scan3A_206, %mul3A_231 : i32
      %add3A_233 = arith.constant 0 : i32
      %add3A_234 = arith.addi %add3A_233, %mul3A_232 : i32
      %add3A_235 = arith.constant 16 : i32
      %add3A_236 = arith.addi %add3A_234, %add3A_235 : i32
      %swap3A_237 = arith.index_cast %add3A_236 : i32 to index
      %swap3A_238 = tpu.vector_load %arg7[%swap3A_237] {strides = array<i32>} : memref<3328xi32, #tpu.memory_space<vmem>>, vector<16xi32>,
      %swap3A_239 = vector.shape_cast %swap3A_238 : vector<16xi32> to vector<16xi32>
      %swap3A_240 = vector.shape_cast %add3A_230 : vector<16xi32> to vector<16xi32>
      tpu.vector_store %arg7[%swap3A_237], %swap3A_240 {strides = array<i32>} : memref<3328xi32, #tpu.memory_space<vmem>>, vector<16xi32>,
    }
    %scan3A_9 = arith.constant 26 : i32
    %dma_start3A = arith.constant 0 : i32
    %dma_start3A_10 = tpu.memref_slice %arg8[%dma_start3A] : memref<3328xf32, #tpu.memory_space<vmem>> -> memref<832xf32, #tpu.memory_space<vmem>>
    %dma_start3A_11 = arith.constant 0 : i32
    %dma_start3A_12 = tpu.memref_slice %arg7[%dma_start3A_11] : memref<3328xi32, #tpu.memory_space<vmem>> -> memref<832xi32, #tpu.memory_space<vmem>>
    %dma_start3A_13 = arith.constant 0 : i32
    %dma_start3A_14 = tpu.memref_slice %arg3[%dma_start3A_13] : memref<2600000xf32, #tpu.memory_space<hbm>> -> memref<2600000xf32, #tpu.memory_space<hbm>>
    tpu.enqueue_indirect_dma source(%dma_start3A_14 : memref<2600000xf32, #tpu.memory_space<hbm>>) target(%dma_start3A_10 : memref<832xf32, #tpu.memory_space<vmem>>) offsets(%dma_start3A_12 : memref<832xi32, #tpu.memory_space<vmem>>) semaphore(%arg11 : memref<!tpu.dma_semaphore, #tpu.memory_space<semaphore_mem>>)
    %scan3A_15 = arith.constant 0 : i32
    %scan3A_16 = arith.constant 0 : i32
    %scan3A_17 = arith.constant 26 : i32
    %scan3A_18 = arith.addi %scan3A_16, %scan3A_17 : i32
    %scan3A_19 = arith.constant 1 : i32
    scf.for %scan3A_206 = %scan3A_16 to %scan3A_18 step %scan3A_19  : i32 {
      %mul3A_207 = arith.constant 100000 : i32
      %mul3A_208 = arith.muli %scan3A_206, %mul3A_207 : i32
      %get3A_209 = arith.index_cast %scan3A_206 : i32 to index
      %get3A_210 = arith.constant 32 : index
      %get3A_211 = tpu.vector_load %arg6[%get3A_209, %get3A_210] {strides = array<i32>} : memref<26x128xi32, #tpu.memory_space<vmem>>, vector<1x16xi32>,
      %get3A_212 = vector.shape_cast %get3A_211 : vector<1x16xi32> to vector<16xi32>
      %add3A_213 = vector.broadcast %mul3A_208 : i32 to vector<16xi32>
      %add3A_214 = arith.addi %get3A_212, %add3A_213 : vector<16xi32>
      %mul3A_215 = arith.constant 32 : i32
      %mul3A_216 = arith.muli %scan3A_206, %mul3A_215 : i32
      %add3A_217 = arith.constant 832 : i32
      %add3A_218 = arith.addi %add3A_217, %mul3A_216 : i32
      %add3A_219 = arith.constant 0 : i32
      %add3A_220 = arith.addi %add3A_218, %add3A_219 : i32
      %swap3A_221 = arith.index_cast %add3A_220 : i32 to index
      %swap3A_222 = tpu.vector_load %arg7[%swap3A_221] {strides = array<i32>} : memref<3328xi32, #tpu.memory_space<vmem>>, vector<16xi32>,
      %swap3A_223 = vector.shape_cast %swap3A_222 : vector<16xi32> to vector<16xi32>
      %swap3A_224 = vector.shape_cast %add3A_214 : vector<16xi32> to vector<16xi32>
      tpu.vector_store %arg7[%swap3A_221], %swap3A_224 {strides = array<i32>} : memref<3328xi32, #tpu.memory_space<vmem>>, vector<16xi32>,
      %get3A_225 = arith.index_cast %scan3A_206 : i32 to index
      %get3A_226 = arith.constant 48 : index
      %get3A_227 = tpu.vector_load %arg6[%get3A_225, %get3A_226] {strides = array<i32>} : memref<26x128xi32, #tpu.memory_space<vmem>>, vector<1x16xi32>,
      %get3A_228 = vector.shape_cast %get3A_227 : vector<1x16xi32> to vector<16xi32>
      %add3A_229 = vector.broadcast %mul3A_208 : i32 to vector<16xi32>
      %add3A_230 = arith.addi %get3A_228, %add3A_229 : vector<16xi32>
      %mul3A_231 = arith.constant 32 : i32
      %mul3A_232 = arith.muli %scan3A_206, %mul3A_231 : i32
      %add3A_233 = arith.constant 832 : i32
      %add3A_234 = arith.addi %add3A_233, %mul3A_232 : i32
      %add3A_235 = arith.constant 16 : i32
      %add3A_236 = arith.addi %add3A_234, %add3A_235 : i32
      %swap3A_237 = arith.index_cast %add3A_236 : i32 to index
      %swap3A_238 = tpu.vector_load %arg7[%swap3A_237] {strides = array<i32>} : memref<3328xi32, #tpu.memory_space<vmem>>, vector<16xi32>,
      %swap3A_239 = vector.shape_cast %swap3A_238 : vector<16xi32> to vector<16xi32>
      %swap3A_240 = vector.shape_cast %add3A_230 : vector<16xi32> to vector<16xi32>
      tpu.vector_store %arg7[%swap3A_237], %swap3A_240 {strides = array<i32>} : memref<3328xi32, #tpu.memory_space<vmem>>, vector<16xi32>,
    }
    %scan3A_20 = arith.constant 26 : i32
    %dma_start3A_21 = arith.constant 832 : i32
    %dma_start3A_22 = tpu.memref_slice %arg8[%dma_start3A_21] : memref<3328xf32, #tpu.memory_space<vmem>> -> memref<832xf32, #tpu.memory_space<vmem>>
    %dma_start3A_23 = arith.constant 832 : i32
    %dma_start3A_24 = tpu.memref_slice %arg7[%dma_start3A_23] : memref<3328xi32, #tpu.memory_space<vmem>> -> memref<832xi32, #tpu.memory_space<vmem>>
    %dma_start3A_25 = arith.constant 0 : i32
    %dma_start3A_26 = tpu.memref_slice %arg3[%dma_start3A_25] : memref<2600000xf32, #tpu.memory_space<hbm>> -> memref<2600000xf32, #tpu.memory_space<hbm>>
    tpu.enqueue_indirect_dma source(%dma_start3A_26 : memref<2600000xf32, #tpu.memory_space<hbm>>) target(%dma_start3A_22 : memref<832xf32, #tpu.memory_space<vmem>>) offsets(%dma_start3A_24 : memref<832xi32, #tpu.memory_space<vmem>>) semaphore(%arg12 : memref<!tpu.dma_semaphore, #tpu.memory_space<semaphore_mem>>)
    %scan3A_27 = arith.constant 0 : i32
    %scan3A_28 = arith.constant 0 : i32
    %scan3A_29 = arith.constant 26 : i32
    %scan3A_30 = arith.addi %scan3A_28, %scan3A_29 : i32
    %scan3A_31 = arith.constant 1 : i32
    scf.for %scan3A_206 = %scan3A_28 to %scan3A_30 step %scan3A_31  : i32 {
      %mul3A_207 = arith.constant 100000 : i32
      %mul3A_208 = arith.muli %scan3A_206, %mul3A_207 : i32
      %get3A_209 = arith.index_cast %scan3A_206 : i32 to index
      %get3A_210 = arith.constant 64 : index
      %get3A_211 = tpu.vector_load %arg6[%get3A_209, %get3A_210] {strides = array<i32>} : memref<26x128xi32, #tpu.memory_space<vmem>>, vector<1x16xi32>,
      %get3A_212 = vector.shape_cast %get3A_211 : vector<1x16xi32> to vector<16xi32>
      %add3A_213 = vector.broadcast %mul3A_208 : i32 to vector<16xi32>
      %add3A_214 = arith.addi %get3A_212, %add3A_213 : vector<16xi32>
      %mul3A_215 = arith.constant 32 : i32
      %mul3A_216 = arith.muli %scan3A_206, %mul3A_215 : i32
      %add3A_217 = arith.constant 1664 : i32
      %add3A_218 = arith.addi %add3A_217, %mul3A_216 : i32
      %add3A_219 = arith.constant 0 : i32
      %add3A_220 = arith.addi %add3A_218, %add3A_219 : i32
      %swap3A_221 = arith.index_cast %add3A_220 : i32 to index
      %swap3A_222 = tpu.vector_load %arg7[%swap3A_221] {strides = array<i32>} : memref<3328xi32, #tpu.memory_space<vmem>>, vector<16xi32>,
      %swap3A_223 = vector.shape_cast %swap3A_222 : vector<16xi32> to vector<16xi32>
      %swap3A_224 = vector.shape_cast %add3A_214 : vector<16xi32> to vector<16xi32>
      tpu.vector_store %arg7[%swap3A_221], %swap3A_224 {strides = array<i32>} : memref<3328xi32, #tpu.memory_space<vmem>>, vector<16xi32>,
      %get3A_225 = arith.index_cast %scan3A_206 : i32 to index
      %get3A_226 = arith.constant 80 : index
      %get3A_227 = tpu.vector_load %arg6[%get3A_225, %get3A_226] {strides = array<i32>} : memref<26x128xi32, #tpu.memory_space<vmem>>, vector<1x16xi32>,
      %get3A_228 = vector.shape_cast %get3A_227 : vector<1x16xi32> to vector<16xi32>
      %add3A_229 = vector.broadcast %mul3A_208 : i32 to vector<16xi32>
      %add3A_230 = arith.addi %get3A_228, %add3A_229 : vector<16xi32>
      %mul3A_231 = arith.constant 32 : i32
      %mul3A_232 = arith.muli %scan3A_206, %mul3A_231 : i32
      %add3A_233 = arith.constant 1664 : i32
      %add3A_234 = arith.addi %add3A_233, %mul3A_232 : i32
      %add3A_235 = arith.constant 16 : i32
      %add3A_236 = arith.addi %add3A_234, %add3A_235 : i32
      %swap3A_237 = arith.index_cast %add3A_236 : i32 to index
      %swap3A_238 = tpu.vector_load %arg7[%swap3A_237] {strides = array<i32>} : memref<3328xi32, #tpu.memory_space<vmem>>, vector<16xi32>,
      %swap3A_239 = vector.shape_cast %swap3A_238 : vector<16xi32> to vector<16xi32>
      %swap3A_240 = vector.shape_cast %add3A_230 : vector<16xi32> to vector<16xi32>
      tpu.vector_store %arg7[%swap3A_237], %swap3A_240 {strides = array<i32>} : memref<3328xi32, #tpu.memory_space<vmem>>, vector<16xi32>,
    }
    %scan3A_32 = arith.constant 26 : i32
    %dma_start3A_33 = arith.constant 1664 : i32
    %dma_start3A_34 = tpu.memref_slice %arg8[%dma_start3A_33] : memref<3328xf32, #tpu.memory_space<vmem>> -> memref<832xf32, #tpu.memory_space<vmem>>
    %dma_start3A_35 = arith.constant 1664 : i32
    %dma_start3A_36 = tpu.memref_slice %arg7[%dma_start3A_35] : memref<3328xi32, #tpu.memory_space<vmem>> -> memref<832xi32, #tpu.memory_space<vmem>>
    %dma_start3A_37 = arith.constant 0 : i32
    %dma_start3A_38 = tpu.memref_slice %arg3[%dma_start3A_37] : memref<2600000xf32, #tpu.memory_space<hbm>> -> memref<2600000xf32, #tpu.memory_space<hbm>>
    tpu.enqueue_indirect_dma source(%dma_start3A_38 : memref<2600000xf32, #tpu.memory_space<hbm>>) target(%dma_start3A_34 : memref<832xf32, #tpu.memory_space<vmem>>) offsets(%dma_start3A_36 : memref<832xi32, #tpu.memory_space<vmem>>) semaphore(%arg13 : memref<!tpu.dma_semaphore, #tpu.memory_space<semaphore_mem>>)
    %scan3A_39 = arith.constant 0 : i32
    %scan3A_40 = arith.constant 0 : i32
    %scan3A_41 = arith.constant 26 : i32
    %scan3A_42 = arith.addi %scan3A_40, %scan3A_41 : i32
    %scan3A_43 = arith.constant 1 : i32
    scf.for %scan3A_206 = %scan3A_40 to %scan3A_42 step %scan3A_43  : i32 {
      %mul3A_207 = arith.constant 100000 : i32
      %mul3A_208 = arith.muli %scan3A_206, %mul3A_207 : i32
      %get3A_209 = arith.index_cast %scan3A_206 : i32 to index
      %get3A_210 = arith.constant 96 : index
      %get3A_211 = tpu.vector_load %arg6[%get3A_209, %get3A_210] {strides = array<i32>} : memref<26x128xi32, #tpu.memory_space<vmem>>, vector<1x16xi32>,
      %get3A_212 = vector.shape_cast %get3A_211 : vector<1x16xi32> to vector<16xi32>
      %add3A_213 = vector.broadcast %mul3A_208 : i32 to vector<16xi32>
      %add3A_214 = arith.addi %get3A_212, %add3A_213 : vector<16xi32>
      %mul3A_215 = arith.constant 32 : i32
      %mul3A_216 = arith.muli %scan3A_206, %mul3A_215 : i32
      %add3A_217 = arith.constant 2496 : i32
      %add3A_218 = arith.addi %add3A_217, %mul3A_216 : i32
      %add3A_219 = arith.constant 0 : i32
      %add3A_220 = arith.addi %add3A_218, %add3A_219 : i32
      %swap3A_221 = arith.index_cast %add3A_220 : i32 to index
      %swap3A_222 = tpu.vector_load %arg7[%swap3A_221] {strides = array<i32>} : memref<3328xi32, #tpu.memory_space<vmem>>, vector<16xi32>,
      %swap3A_223 = vector.shape_cast %swap3A_222 : vector<16xi32> to vector<16xi32>
      %swap3A_224 = vector.shape_cast %add3A_214 : vector<16xi32> to vector<16xi32>
      tpu.vector_store %arg7[%swap3A_221], %swap3A_224 {strides = array<i32>} : memref<3328xi32, #tpu.memory_space<vmem>>, vector<16xi32>,
      %get3A_225 = arith.index_cast %scan3A_206 : i32 to index
      %get3A_226 = arith.constant 112 : index
      %get3A_227 = tpu.vector_load %arg6[%get3A_225, %get3A_226] {strides = array<i32>} : memref<26x128xi32, #tpu.memory_space<vmem>>, vector<1x16xi32>,
      %get3A_228 = vector.shape_cast %get3A_227 : vector<1x16xi32> to vector<16xi32>
      %add3A_229 = vector.broadcast %mul3A_208 : i32 to vector<16xi32>
      %add3A_230 = arith.addi %get3A_228, %add3A_229 : vector<16xi32>
      %mul3A_231 = arith.constant 32 : i32
      %mul3A_232 = arith.muli %scan3A_206, %mul3A_231 : i32
      %add3A_233 = arith.constant 2496 : i32
      %add3A_234 = arith.addi %add3A_233, %mul3A_232 : i32
      %add3A_235 = arith.constant 16 : i32
      %add3A_236 = arith.addi %add3A_234, %add3A_235 : i32
      %swap3A_237 = arith.index_cast %add3A_236 : i32 to index
      %swap3A_238 = tpu.vector_load %arg7[%swap3A_237] {strides = array<i32>} : memref<3328xi32, #tpu.memory_space<vmem>>, vector<16xi32>,
      %swap3A_239 = vector.shape_cast %swap3A_238 : vector<16xi32> to vector<16xi32>
      %swap3A_240 = vector.shape_cast %add3A_230 : vector<16xi32> to vector<16xi32>
      tpu.vector_store %arg7[%swap3A_237], %swap3A_240 {strides = array<i32>} : memref<3328xi32, #tpu.memory_space<vmem>>, vector<16xi32>,
    }
    %scan3A_44 = arith.constant 26 : i32
    %dma_start3A_45 = arith.constant 2496 : i32
    %dma_start3A_46 = tpu.memref_slice %arg8[%dma_start3A_45] : memref<3328xf32, #tpu.memory_space<vmem>> -> memref<832xf32, #tpu.memory_space<vmem>>
    %dma_start3A_47 = arith.constant 2496 : i32
    %dma_start3A_48 = tpu.memref_slice %arg7[%dma_start3A_47] : memref<3328xi32, #tpu.memory_space<vmem>> -> memref<832xi32, #tpu.memory_space<vmem>>
    %dma_start3A_49 = arith.constant 0 : i32
    %dma_start3A_50 = tpu.memref_slice %arg3[%dma_start3A_49] : memref<2600000xf32, #tpu.memory_space<hbm>> -> memref<2600000xf32, #tpu.memory_space<hbm>>
    tpu.enqueue_indirect_dma source(%dma_start3A_50 : memref<2600000xf32, #tpu.memory_space<hbm>>) target(%dma_start3A_46 : memref<832xf32, #tpu.memory_space<vmem>>) offsets(%dma_start3A_48 : memref<832xi32, #tpu.memory_space<vmem>>) semaphore(%arg14 : memref<!tpu.dma_semaphore, #tpu.memory_space<semaphore_mem>>)
    %dma_wait3A = arith.constant 0 : i32
    %dma_wait3A_51 = tpu.memref_slice %arg8[%dma_wait3A] : memref<3328xf32, #tpu.memory_space<vmem>> -> memref<832xf32, #tpu.memory_space<vmem>>
    %dma_wait3A_52 = arith.constant 0 : i32
    %dma_wait3A_53 = tpu.memref_slice %arg7[%dma_wait3A_52] : memref<3328xi32, #tpu.memory_space<vmem>> -> memref<832xi32, #tpu.memory_space<vmem>>
    %dma_wait3A_54 = arith.constant 0 : i32
    %dma_wait3A_55 = tpu.memref_slice %arg3[%dma_wait3A_54] : memref<2600000xf32, #tpu.memory_space<hbm>> -> memref<2600000xf32, #tpu.memory_space<hbm>>
    tpu.wait_indirect_dma semaphore(%arg11 : memref<!tpu.dma_semaphore, #tpu.memory_space<semaphore_mem>>) src(%dma_wait3A_55 : memref<2600000xf32, #tpu.memory_space<hbm>>) dst(%dma_wait3A_51 : memref<832xf32, #tpu.memory_space<vmem>>)
    %scan3A_56 = arith.constant 0 : i32
    %scan3A_57 = arith.constant 26 : i32
    %scan3A_58 = arith.addi %scan3A_56, %scan3A_57 : i32
    %scan3A_59 = arith.constant 1 : i32
    %scan3A_60:2 = scf.for %scan3A_206 = %scan3A_56 to %scan3A_58 step %scan3A_59 iter_args(%scan3A_207 = %get3A_4, %scan3A_208 = %get3A_4) -> (vector<16xf32>, vector<16xf32>)  : i32 {
      %mul3A_209 = arith.constant 32 : i32
      %mul3A_210 = arith.muli %scan3A_206, %mul3A_209 : i32
      %add3A_211 = arith.constant 0 : i32
      %add3A_212 = arith.addi %add3A_211, %mul3A_210 : i32
      %add3A_213 = arith.constant 0 : i32
      %add3A_214 = arith.addi %add3A_212, %add3A_213 : i32
      %get3A_215 = arith.index_cast %add3A_214 : i32 to index
      %get3A_216 = tpu.vector_load %arg8[%get3A_215] {strides = array<i32>} : memref<3328xf32, #tpu.memory_space<vmem>>, vector<16xf32>,
      %get3A_217 = vector.shape_cast %get3A_216 : vector<16xf32> to vector<16xf32>
      %add3A_218 = arith.addf %scan3A_207, %get3A_217 : vector<16xf32>
      %mul3A_219 = arith.constant 32 : i32
      %mul3A_220 = arith.muli %scan3A_206, %mul3A_219 : i32
      %add3A_221 = arith.constant 0 : i32
      %add3A_222 = arith.addi %add3A_221, %mul3A_220 : i32
      %add3A_223 = arith.constant 16 : i32
      %add3A_224 = arith.addi %add3A_222, %add3A_223 : i32
      %get3A_225 = arith.index_cast %add3A_224 : i32 to index
      %get3A_226 = tpu.vector_load %arg8[%get3A_225] {strides = array<i32>} : memref<3328xf32, #tpu.memory_space<vmem>>, vector<16xf32>,
      %get3A_227 = vector.shape_cast %get3A_226 : vector<16xf32> to vector<16xf32>
      %add3A_228 = arith.addf %scan3A_208, %get3A_227 : vector<16xf32>
      scf.yield %add3A_218, %add3A_228 : vector<16xf32>, vector<16xf32>
    }
    %scan3A_61 = arith.constant 26 : i32
    %neg3A = arith.constant 0.000000e+00 : f32
    %neg3A_62 = vector.broadcast %neg3A : f32 to vector<16xf32>
    %neg3A_63 = arith.subf %neg3A_62, %scan3A_60#0 : vector<16xf32>
    %exp3A = math.exp %neg3A_63 : vector<16xf32>
    %add3A_64 = arith.constant 1.000000e+00 : f32
    %add3A_65 = vector.broadcast %add3A_64 : f32 to vector<16xf32>
    %add3A_66 = arith.addf %add3A_65, %exp3A : vector<16xf32>
    %div3A = arith.constant 1.000000e+00 : f32
    %div3A_67 = vector.broadcast %div3A : f32 to vector<16xf32>
    %div3A_68 = arith.divf %div3A_67, %add3A_66 : vector<16xf32>
    %swap3A = arith.constant 0 : index
    %swap3A_69 = tpu.vector_load %arg9[%swap3A] {strides = array<i32>} : memref<128xf32, #tpu.memory_space<vmem>>, vector<16xf32>,
    %swap3A_70 = vector.shape_cast %swap3A_69 : vector<16xf32> to vector<16xf32>
    %swap3A_71 = vector.shape_cast %div3A_68 : vector<16xf32> to vector<16xf32>
    tpu.vector_store %arg9[%swap3A], %swap3A_71 {strides = array<i32>} : memref<128xf32, #tpu.memory_space<vmem>>, vector<16xf32>,
    %neg3A_72 = arith.constant 0.000000e+00 : f32
    %neg3A_73 = vector.broadcast %neg3A_72 : f32 to vector<16xf32>
    %neg3A_74 = arith.subf %neg3A_73, %scan3A_60#1 : vector<16xf32>
    %exp3A_75 = math.exp %neg3A_74 : vector<16xf32>
    %add3A_76 = arith.constant 1.000000e+00 : f32
    %add3A_77 = vector.broadcast %add3A_76 : f32 to vector<16xf32>
    %add3A_78 = arith.addf %add3A_77, %exp3A_75 : vector<16xf32>
    %div3A_79 = arith.constant 1.000000e+00 : f32
    %div3A_80 = vector.broadcast %div3A_79 : f32 to vector<16xf32>
    %div3A_81 = arith.divf %div3A_80, %add3A_78 : vector<16xf32>
    %swap3A_82 = arith.constant 16 : index
    %swap3A_83 = tpu.vector_load %arg9[%swap3A_82] {strides = array<i32>} : memref<128xf32, #tpu.memory_space<vmem>>, vector<16xf32>,
    %swap3A_84 = vector.shape_cast %swap3A_83 : vector<16xf32> to vector<16xf32>
    %swap3A_85 = vector.shape_cast %div3A_81 : vector<16xf32> to vector<16xf32>
    tpu.vector_store %arg9[%swap3A_82], %swap3A_85 {strides = array<i32>} : memref<128xf32, #tpu.memory_space<vmem>>, vector<16xf32>,
    %dma_wait3A_86 = arith.constant 832 : i32
    %dma_wait3A_87 = tpu.memref_slice %arg8[%dma_wait3A_86] : memref<3328xf32, #tpu.memory_space<vmem>> -> memref<832xf32, #tpu.memory_space<vmem>>
    %dma_wait3A_88 = arith.constant 832 : i32
    %dma_wait3A_89 = tpu.memref_slice %arg7[%dma_wait3A_88] : memref<3328xi32, #tpu.memory_space<vmem>> -> memref<832xi32, #tpu.memory_space<vmem>>
    %dma_wait3A_90 = arith.constant 0 : i32
    %dma_wait3A_91 = tpu.memref_slice %arg3[%dma_wait3A_90] : memref<2600000xf32, #tpu.memory_space<hbm>> -> memref<2600000xf32, #tpu.memory_space<hbm>>
    tpu.wait_indirect_dma semaphore(%arg12 : memref<!tpu.dma_semaphore, #tpu.memory_space<semaphore_mem>>) src(%dma_wait3A_91 : memref<2600000xf32, #tpu.memory_space<hbm>>) dst(%dma_wait3A_87 : memref<832xf32, #tpu.memory_space<vmem>>)
    %scan3A_92 = arith.constant 0 : i32
    %scan3A_93 = arith.constant 26 : i32
    %scan3A_94 = arith.addi %scan3A_92, %scan3A_93 : i32
    %scan3A_95 = arith.constant 1 : i32
    %scan3A_96:2 = scf.for %scan3A_206 = %scan3A_92 to %scan3A_94 step %scan3A_95 iter_args(%scan3A_207 = %get3A_4, %scan3A_208 = %get3A_4) -> (vector<16xf32>, vector<16xf32>)  : i32 {
      %mul3A_209 = arith.constant 32 : i32
      %mul3A_210 = arith.muli %scan3A_206, %mul3A_209 : i32
      %add3A_211 = arith.constant 832 : i32
      %add3A_212 = arith.addi %add3A_211, %mul3A_210 : i32
      %add3A_213 = arith.constant 0 : i32
      %add3A_214 = arith.addi %add3A_212, %add3A_213 : i32
      %get3A_215 = arith.index_cast %add3A_214 : i32 to index
      %get3A_216 = tpu.vector_load %arg8[%get3A_215] {strides = array<i32>} : memref<3328xf32, #tpu.memory_space<vmem>>, vector<16xf32>,
      %get3A_217 = vector.shape_cast %get3A_216 : vector<16xf32> to vector<16xf32>
      %add3A_218 = arith.addf %scan3A_207, %get3A_217 : vector<16xf32>
      %mul3A_219 = arith.constant 32 : i32
      %mul3A_220 = arith.muli %scan3A_206, %mul3A_219 : i32
      %add3A_221 = arith.constant 832 : i32
      %add3A_222 = arith.addi %add3A_221, %mul3A_220 : i32
      %add3A_223 = arith.constant 16 : i32
      %add3A_224 = arith.addi %add3A_222, %add3A_223 : i32
      %get3A_225 = arith.index_cast %add3A_224 : i32 to index
      %get3A_226 = tpu.vector_load %arg8[%get3A_225] {strides = array<i32>} : memref<3328xf32, #tpu.memory_space<vmem>>, vector<16xf32>,
      %get3A_227 = vector.shape_cast %get3A_226 : vector<16xf32> to vector<16xf32>
      %add3A_228 = arith.addf %scan3A_208, %get3A_227 : vector<16xf32>
      scf.yield %add3A_218, %add3A_228 : vector<16xf32>, vector<16xf32>
    }
    %scan3A_97 = arith.constant 26 : i32
    %neg3A_98 = arith.constant 0.000000e+00 : f32
    %neg3A_99 = vector.broadcast %neg3A_98 : f32 to vector<16xf32>
    %neg3A_100 = arith.subf %neg3A_99, %scan3A_96#0 : vector<16xf32>
    %exp3A_101 = math.exp %neg3A_100 : vector<16xf32>
    %add3A_102 = arith.constant 1.000000e+00 : f32
    %add3A_103 = vector.broadcast %add3A_102 : f32 to vector<16xf32>
    %add3A_104 = arith.addf %add3A_103, %exp3A_101 : vector<16xf32>
    %div3A_105 = arith.constant 1.000000e+00 : f32
    %div3A_106 = vector.broadcast %div3A_105 : f32 to vector<16xf32>
    %div3A_107 = arith.divf %div3A_106, %add3A_104 : vector<16xf32>
    %swap3A_108 = arith.constant 32 : index
    %swap3A_109 = tpu.vector_load %arg9[%swap3A_108] {strides = array<i32>} : memref<128xf32, #tpu.memory_space<vmem>>, vector<16xf32>,
    %swap3A_110 = vector.shape_cast %swap3A_109 : vector<16xf32> to vector<16xf32>
    %swap3A_111 = vector.shape_cast %div3A_107 : vector<16xf32> to vector<16xf32>
    tpu.vector_store %arg9[%swap3A_108], %swap3A_111 {strides = array<i32>} : memref<128xf32, #tpu.memory_space<vmem>>, vector<16xf32>,
    %neg3A_112 = arith.constant 0.000000e+00 : f32
    %neg3A_113 = vector.broadcast %neg3A_112 : f32 to vector<16xf32>
    %neg3A_114 = arith.subf %neg3A_113, %scan3A_96#1 : vector<16xf32>
    %exp3A_115 = math.exp %neg3A_114 : vector<16xf32>
    %add3A_116 = arith.constant 1.000000e+00 : f32
    %add3A_117 = vector.broadcast %add3A_116 : f32 to vector<16xf32>
    %add3A_118 = arith.addf %add3A_117, %exp3A_115 : vector<16xf32>
    %div3A_119 = arith.constant 1.000000e+00 : f32
    %div3A_120 = vector.broadcast %div3A_119 : f32 to vector<16xf32>
    %div3A_121 = arith.divf %div3A_120, %add3A_118 : vector<16xf32>
    %swap3A_122 = arith.constant 48 : index
    %swap3A_123 = tpu.vector_load %arg9[%swap3A_122] {strides = array<i32>} : memref<128xf32, #tpu.memory_space<vmem>>, vector<16xf32>,
    %swap3A_124 = vector.shape_cast %swap3A_123 : vector<16xf32> to vector<16xf32>
    %swap3A_125 = vector.shape_cast %div3A_121 : vector<16xf32> to vector<16xf32>
    tpu.vector_store %arg9[%swap3A_122], %swap3A_125 {strides = array<i32>} : memref<128xf32, #tpu.memory_space<vmem>>, vector<16xf32>,
    %dma_wait3A_126 = arith.constant 1664 : i32
    %dma_wait3A_127 = tpu.memref_slice %arg8[%dma_wait3A_126] : memref<3328xf32, #tpu.memory_space<vmem>> -> memref<832xf32, #tpu.memory_space<vmem>>
    %dma_wait3A_128 = arith.constant 1664 : i32
    %dma_wait3A_129 = tpu.memref_slice %arg7[%dma_wait3A_128] : memref<3328xi32, #tpu.memory_space<vmem>> -> memref<832xi32, #tpu.memory_space<vmem>>
    %dma_wait3A_130 = arith.constant 0 : i32
    %dma_wait3A_131 = tpu.memref_slice %arg3[%dma_wait3A_130] : memref<2600000xf32, #tpu.memory_space<hbm>> -> memref<2600000xf32, #tpu.memory_space<hbm>>
    tpu.wait_indirect_dma semaphore(%arg13 : memref<!tpu.dma_semaphore, #tpu.memory_space<semaphore_mem>>) src(%dma_wait3A_131 : memref<2600000xf32, #tpu.memory_space<hbm>>) dst(%dma_wait3A_127 : memref<832xf32, #tpu.memory_space<vmem>>)
    %scan3A_132 = arith.constant 0 : i32
    %scan3A_133 = arith.constant 26 : i32
    %scan3A_134 = arith.addi %scan3A_132, %scan3A_133 : i32
    %scan3A_135 = arith.constant 1 : i32
    %scan3A_136:2 = scf.for %scan3A_206 = %scan3A_132 to %scan3A_134 step %scan3A_135 iter_args(%scan3A_207 = %get3A_4, %scan3A_208 = %get3A_4) -> (vector<16xf32>, vector<16xf32>)  : i32 {
      %mul3A_209 = arith.constant 32 : i32
      %mul3A_210 = arith.muli %scan3A_206, %mul3A_209 : i32
      %add3A_211 = arith.constant 1664 : i32
      %add3A_212 = arith.addi %add3A_211, %mul3A_210 : i32
      %add3A_213 = arith.constant 0 : i32
      %add3A_214 = arith.addi %add3A_212, %add3A_213 : i32
      %get3A_215 = arith.index_cast %add3A_214 : i32 to index
      %get3A_216 = tpu.vector_load %arg8[%get3A_215] {strides = array<i32>} : memref<3328xf32, #tpu.memory_space<vmem>>, vector<16xf32>,
      %get3A_217 = vector.shape_cast %get3A_216 : vector<16xf32> to vector<16xf32>
      %add3A_218 = arith.addf %scan3A_207, %get3A_217 : vector<16xf32>
      %mul3A_219 = arith.constant 32 : i32
      %mul3A_220 = arith.muli %scan3A_206, %mul3A_219 : i32
      %add3A_221 = arith.constant 1664 : i32
      %add3A_222 = arith.addi %add3A_221, %mul3A_220 : i32
      %add3A_223 = arith.constant 16 : i32
      %add3A_224 = arith.addi %add3A_222, %add3A_223 : i32
      %get3A_225 = arith.index_cast %add3A_224 : i32 to index
      %get3A_226 = tpu.vector_load %arg8[%get3A_225] {strides = array<i32>} : memref<3328xf32, #tpu.memory_space<vmem>>, vector<16xf32>,
      %get3A_227 = vector.shape_cast %get3A_226 : vector<16xf32> to vector<16xf32>
      %add3A_228 = arith.addf %scan3A_208, %get3A_227 : vector<16xf32>
      scf.yield %add3A_218, %add3A_228 : vector<16xf32>, vector<16xf32>
    }
    %scan3A_137 = arith.constant 26 : i32
    %neg3A_138 = arith.constant 0.000000e+00 : f32
    %neg3A_139 = vector.broadcast %neg3A_138 : f32 to vector<16xf32>
    %neg3A_140 = arith.subf %neg3A_139, %scan3A_136#0 : vector<16xf32>
    %exp3A_141 = math.exp %neg3A_140 : vector<16xf32>
    %add3A_142 = arith.constant 1.000000e+00 : f32
    %add3A_143 = vector.broadcast %add3A_142 : f32 to vector<16xf32>
    %add3A_144 = arith.addf %add3A_143, %exp3A_141 : vector<16xf32>
    %div3A_145 = arith.constant 1.000000e+00 : f32
    %div3A_146 = vector.broadcast %div3A_145 : f32 to vector<16xf32>
    %div3A_147 = arith.divf %div3A_146, %add3A_144 : vector<16xf32>
    %swap3A_148 = arith.constant 64 : index
    %swap3A_149 = tpu.vector_load %arg9[%swap3A_148] {strides = array<i32>} : memref<128xf32, #tpu.memory_space<vmem>>, vector<16xf32>,
    %swap3A_150 = vector.shape_cast %swap3A_149 : vector<16xf32> to vector<16xf32>
    %swap3A_151 = vector.shape_cast %div3A_147 : vector<16xf32> to vector<16xf32>
    tpu.vector_store %arg9[%swap3A_148], %swap3A_151 {strides = array<i32>} : memref<128xf32, #tpu.memory_space<vmem>>, vector<16xf32>,
    %neg3A_152 = arith.constant 0.000000e+00 : f32
    %neg3A_153 = vector.broadcast %neg3A_152 : f32 to vector<16xf32>
    %neg3A_154 = arith.subf %neg3A_153, %scan3A_136#1 : vector<16xf32>
    %exp3A_155 = math.exp %neg3A_154 : vector<16xf32>
    %add3A_156 = arith.constant 1.000000e+00 : f32
    %add3A_157 = vector.broadcast %add3A_156 : f32 to vector<16xf32>
    %add3A_158 = arith.addf %add3A_157, %exp3A_155 : vector<16xf32>
    %div3A_159 = arith.constant 1.000000e+00 : f32
    %div3A_160 = vector.broadcast %div3A_159 : f32 to vector<16xf32>
    %div3A_161 = arith.divf %div3A_160, %add3A_158 : vector<16xf32>
    %swap3A_162 = arith.constant 80 : index
    %swap3A_163 = tpu.vector_load %arg9[%swap3A_162] {strides = array<i32>} : memref<128xf32, #tpu.memory_space<vmem>>, vector<16xf32>,
    %swap3A_164 = vector.shape_cast %swap3A_163 : vector<16xf32> to vector<16xf32>
    %swap3A_165 = vector.shape_cast %div3A_161 : vector<16xf32> to vector<16xf32>
    tpu.vector_store %arg9[%swap3A_162], %swap3A_165 {strides = array<i32>} : memref<128xf32, #tpu.memory_space<vmem>>, vector<16xf32>,
    %dma_wait3A_166 = arith.constant 2496 : i32
    %dma_wait3A_167 = tpu.memref_slice %arg8[%dma_wait3A_166] : memref<3328xf32, #tpu.memory_space<vmem>> -> memref<832xf32, #tpu.memory_space<vmem>>
    %dma_wait3A_168 = arith.constant 2496 : i32
    %dma_wait3A_169 = tpu.memref_slice %arg7[%dma_wait3A_168] : memref<3328xi32, #tpu.memory_space<vmem>> -> memref<832xi32, #tpu.memory_space<vmem>>
    %dma_wait3A_170 = arith.constant 0 : i32
    %dma_wait3A_171 = tpu.memref_slice %arg3[%dma_wait3A_170] : memref<2600000xf32, #tpu.memory_space<hbm>> -> memref<2600000xf32, #tpu.memory_space<hbm>>
    tpu.wait_indirect_dma semaphore(%arg14 : memref<!tpu.dma_semaphore, #tpu.memory_space<semaphore_mem>>) src(%dma_wait3A_171 : memref<2600000xf32, #tpu.memory_space<hbm>>) dst(%dma_wait3A_167 : memref<832xf32, #tpu.memory_space<vmem>>)
    %scan3A_172 = arith.constant 0 : i32
    %scan3A_173 = arith.constant 26 : i32
    %scan3A_174 = arith.addi %scan3A_172, %scan3A_173 : i32
    %scan3A_175 = arith.constant 1 : i32
    %scan3A_176:2 = scf.for %scan3A_206 = %scan3A_172 to %scan3A_174 step %scan3A_175 iter_args(%scan3A_207 = %get3A_4, %scan3A_208 = %get3A_4) -> (vector<16xf32>, vector<16xf32>)  : i32 {
      %mul3A_209 = arith.constant 32 : i32
      %mul3A_210 = arith.muli %scan3A_206, %mul3A_209 : i32
      %add3A_211 = arith.constant 2496 : i32
      %add3A_212 = arith.addi %add3A_211, %mul3A_210 : i32
      %add3A_213 = arith.constant 0 : i32
      %add3A_214 = arith.addi %add3A_212, %add3A_213 : i32
      %get3A_215 = arith.index_cast %add3A_214 : i32 to index
      %get3A_216 = tpu.vector_load %arg8[%get3A_215] {strides = array<i32>} : memref<3328xf32, #tpu.memory_space<vmem>>, vector<16xf32>,
      %get3A_217 = vector.shape_cast %get3A_216 : vector<16xf32> to vector<16xf32>
      %add3A_218 = arith.addf %scan3A_207, %get3A_217 : vector<16xf32>
      %mul3A_219 = arith.constant 32 : i32
      %mul3A_220 = arith.muli %scan3A_206, %mul3A_219 : i32
      %add3A_221 = arith.constant 2496 : i32
      %add3A_222 = arith.addi %add3A_221, %mul3A_220 : i32
      %add3A_223 = arith.constant 16 : i32
      %add3A_224 = arith.addi %add3A_222, %add3A_223 : i32
      %get3A_225 = arith.index_cast %add3A_224 : i32 to index
      %get3A_226 = tpu.vector_load %arg8[%get3A_225] {strides = array<i32>} : memref<3328xf32, #tpu.memory_space<vmem>>, vector<16xf32>,
      %get3A_227 = vector.shape_cast %get3A_226 : vector<16xf32> to vector<16xf32>
      %add3A_228 = arith.addf %scan3A_208, %get3A_227 : vector<16xf32>
      scf.yield %add3A_218, %add3A_228 : vector<16xf32>, vector<16xf32>
    }
    %scan3A_177 = arith.constant 26 : i32
    %neg3A_178 = arith.constant 0.000000e+00 : f32
    %neg3A_179 = vector.broadcast %neg3A_178 : f32 to vector<16xf32>
    %neg3A_180 = arith.subf %neg3A_179, %scan3A_176#0 : vector<16xf32>
    %exp3A_181 = math.exp %neg3A_180 : vector<16xf32>
    %add3A_182 = arith.constant 1.000000e+00 : f32
    %add3A_183 = vector.broadcast %add3A_182 : f32 to vector<16xf32>
    %add3A_184 = arith.addf %add3A_183, %exp3A_181 : vector<16xf32>
    %div3A_185 = arith.constant 1.000000e+00 : f32
    %div3A_186 = vector.broadcast %div3A_185 : f32 to vector<16xf32>
    %div3A_187 = arith.divf %div3A_186, %add3A_184 : vector<16xf32>
    %swap3A_188 = arith.constant 96 : index
    %swap3A_189 = tpu.vector_load %arg9[%swap3A_188] {strides = array<i32>} : memref<128xf32, #tpu.memory_space<vmem>>, vector<16xf32>,
    %swap3A_190 = vector.shape_cast %swap3A_189 : vector<16xf32> to vector<16xf32>
    %swap3A_191 = vector.shape_cast %div3A_187 : vector<16xf32> to vector<16xf32>
    tpu.vector_store %arg9[%swap3A_188], %swap3A_191 {strides = array<i32>} : memref<128xf32, #tpu.memory_space<vmem>>, vector<16xf32>,
    %neg3A_192 = arith.constant 0.000000e+00 : f32
    %neg3A_193 = vector.broadcast %neg3A_192 : f32 to vector<16xf32>
    %neg3A_194 = arith.subf %neg3A_193, %scan3A_176#1 : vector<16xf32>
    %exp3A_195 = math.exp %neg3A_194 : vector<16xf32>
    %add3A_196 = arith.constant 1.000000e+00 : f32
    %add3A_197 = vector.broadcast %add3A_196 : f32 to vector<16xf32>
    %add3A_198 = arith.addf %add3A_197, %exp3A_195 : vector<16xf32>
    %div3A_199 = arith.constant 1.000000e+00 : f32
    %div3A_200 = vector.broadcast %div3A_199 : f32 to vector<16xf32>
    %div3A_201 = arith.divf %div3A_200, %add3A_198 : vector<16xf32>
    %swap3A_202 = arith.constant 112 : index
    %swap3A_203 = tpu.vector_load %arg9[%swap3A_202] {strides = array<i32>} : memref<128xf32, #tpu.memory_space<vmem>>, vector<16xf32>,
    %swap3A_204 = vector.shape_cast %swap3A_203 : vector<16xf32> to vector<16xf32>
    %swap3A_205 = vector.shape_cast %div3A_201 : vector<16xf32> to vector<16xf32>
    tpu.vector_store %arg9[%swap3A_202], %swap3A_205 {strides = array<i32>} : memref<128xf32, #tpu.memory_space<vmem>>, vector<16xf32>,
    "tpu.region"() ({
      %run_scoped3A = tpu.sem_alloc : memref<!tpu.dma_semaphore, #tpu.memory_space<semaphore_mem>>
      %dma_start3A_206 = tpu.memref_slice %arg5[%mul3A_2] : memref<4096xf32, #tpu.memory_space<hbm>> -> memref<128xf32, #tpu.memory_space<hbm>>
      %dma_start3A_207 = tpu.memref_slice %arg5[%mul3A_2] : memref<4096xf32, #tpu.memory_space<hbm>> -> memref<128xf32, #tpu.memory_space<hbm>>
      tpu.enqueue_dma source(%arg9 : memref<128xf32, #tpu.memory_space<vmem>>) target(%dma_start3A_207 : memref<128xf32, #tpu.memory_space<hbm>>) target_semaphore(%run_scoped3A : memref<!tpu.dma_semaphore, #tpu.memory_space<semaphore_mem>>)
      %dma_wait3A_208 = tpu.memref_slice %arg5[%mul3A_2] : memref<4096xf32, #tpu.memory_space<hbm>> -> memref<128xf32, #tpu.memory_space<hbm>>
      %dma_wait3A_209 = tpu.memref_slice %arg5[%mul3A_2] : memref<4096xf32, #tpu.memory_space<hbm>> -> memref<128xf32, #tpu.memory_space<hbm>>
      tpu.wait_dma2 semaphore(%run_scoped3A : memref<!tpu.dma_semaphore, #tpu.memory_space<semaphore_mem>>) src(%arg9 : memref<128xf32, #tpu.memory_space<vmem>>) dst(%dma_wait3A_209 : memref<128xf32, #tpu.memory_space<hbm>>)
      tpu.yield
    }) : () -> ()
    return
  }
}

</mosaic_0001>

<sc_bundles>
// kernel: kernel.3.cloned.1.call-start
scs
__scs_entry_jumppad:
0x0: {  	(pc) =	sbr.rel $0x88, $3  }
0x1: {  	(tag) =	ssettag $0x0;
	lr =	simm.s32 $0x1  }
0x2: {  	[smem:$0x3F9E] =	sst lr;
	_ =	strace $0xD0000000  }
0x3: {  	_ = 	snop  }
0x4: {  	_ = 	snop  }
0x5: {  	_ = 	snop  }
0x6: {  	_ = 	snop  }
0x7: {  	_ = 	snop  }
__scs_overlays_trampoline_lowered:
0x8: {  	[smem:$0x3FAD] =	sst s0  }
0x9: {  	[smem:$0x3FAE] =	sst s1  }
0xa: {  	[smem:$0x3FAF] =	sst s2  }
0xb: {  	[smem:$0x3FB0] =	sst s3  }
0xc: {  	[smem:$0x3FB1] =	sst s4  }
0xd: {  	[smem:$0x3FB2] =	sst s5  }
0xe: {  	[smem:$0x3FB3] =	sst s6  }
0xf: {  	[smem:$0x3FB4] =	sst s7  }
0x10: {  	[smem:$0x3FB5] =	sst s8  }
0x11: {  	[smem:$0x3FB6] =	sst s9;
	s0 =	simm.s32 @!p0 $0x0  }
0x12: {  	s1 =	sld [smem:$0x3F9C];
	s0 =	simm.s32 @p0 $0x1  }
0x13: {  	[smem:$0x3FB7] =	sst s0;
	s0 =	simm.s32 @!p1 $0x0  }
0x14: {  	s2 =	sld [smem:$0x3F9B];
	s0 =	simm.s32 @p1 $0x1  }
0x15: {  	[smem:$0x3FB8] =	sst s0;
	s0 =	simm.s32 @!p2 $0x0  }
0x16: {  	s3 =	sld [smem:$0x3FDB];
	s0 =	simm.s32 @p2 $0x1  }
0x17: {  	s4 =	simm.s32 $0x1BF5;
	[smem:$0x3FBA] =	sst s0  }
0x18: {  	s0 =	sld [smem:$0x3F9D];
	_ =	swait.ge [sflag:s4], $0x0  }
0x19: {  	s7 =	sld [smem:$0x3F9E]  }
0x1a: {  	s8 =	sadd.s32 $0xFFFFE003, lr  }
0x1b: {  	s9 =	sadd.s32 $0xFFFFFEF7, lr;
	s5 =	simm.s32 $0xFFFFFFFF;
	p2 =	slt.u32 s8, $0xFFFFF086  }
0x1c: {  	p1 =	slt.u32 s9, $0xF7A;
	s5 =	simm.s32 @!p2 $0x0  }
0x1d: {  	s5 =	simm.s32 @p1 $0x1;
	p0 =	seq.s32 s7, s2  }
0x1e: {  	s7 =	smul.u32 @!p0 $0xF7A, s2;
	p2 =	seq.s32 @!p0 s5, $0x0  }
0x1f: {  	s9 =	smul.u32 $0xF7A, s1;
	s8 =	simm.s32 @!p0 $0x1BF5;
	p2 =	por !p2, p0  }
0x20: {  	[sflag:s8] =	ssyncset.s32 @!p0 $0xFFFFF086;
	s6 =	sadd.s32 @!p0 s3, s7;
	s7 =	simm.s32 @!p0 $0x108  }
0x21: {  	s3 =	sadd.s32 s3, s9;
	s6 =	sadd.s32 @!p0 $0x88, s6;
	s7 =	simm.s32 @p2 $0x1082  }
0x22: {  	[simem:s7], [sflag:s8] =	dma.local @!p0 [hbm:s6], $0xF7A  }
0x23: {  	s9 =	sor.u32 $0xD0000000, s2;
	s6 =	simm.s32 $0x108;
	_ =	swait.ge @!p0 [sflag:s8], $0x0  }
0x24: {  	s3 =	sadd.s32 $0x88, s3;
	s6 =	simm.s32 @!p1 $0x1082;
	[sflag:s4] =	ssyncset.s32 $0xFFFFF086  }
0x25: {  	[simem:s6], [sflag:s4] =	dma.local [hbm:s3], $0xF7A  }
0x26: {  	[smem:$0x3F9E] =	sst s1;
	(tag) =	ssettag s2;
	_ =	strace s9  }
0x27: {  	s1 =	sld [smem:$0x3FAE]  }
0x28: {  	s2 =	sld [smem:$0x3FAF]  }
0x29: {  	s4 =	sld [smem:$0x3FB1]  }
0x2a: {  	p0 =	seq.s32 s5, $0x0;
	s5 =	sld [smem:$0x3FB2]  }
0x2b: {  	s6 =	sld [smem:$0x3FB3]  }
0x2c: {  	s7 =	sld [smem:$0x3FB4]  }
0x2d: {  	s3 =	simm.s32 $0x108;
	s8 =	sld [smem:$0x3FB5]  }
0x2e: {  	s3 =	simm.s32 @!p0 $0x1082;
	s9 =	sld [smem:$0x3FB6]  }
0x2f: {  	lr =	sadd.s32 s0, s3;
	s0 =	sld [smem:$0x3FAD]  }
0x30: {  	s3 =	sld [smem:$0x3FB0]  }
0x31: {  	[smem:$0x3FB9] =	sst s10  }
0x32: {  	s10 =	sld [smem:$0x3FB7];
	_ =	sdelay $0x3  }
0x33: {  	p0 =	seq.s32 s10, $0x1;
	s10 =	sld [smem:$0x3FB9];
	_ =	sdelay $0x3  }
0x34: {  	[smem:$0x3FB9] =	sst s10  }
0x35: {  	s10 =	sld [smem:$0x3FB8];
	_ =	sdelay $0x3  }
0x36: {  	p1 =	seq.s32 s10, $0x1;
	s10 =	sld [smem:$0x3FB9];
	_ =	sdelay $0x3  }
0x37: {  	[smem:$0x3FB9] =	sst s10  }
0x38: {  	s10 =	sld [smem:$0x3FBA]  }
0x39: {  	_ = 	snop;
	(pc) =	sbr.ind lr, $3  }
0x3a: {  	_ = 	snop  }
0x3b: {  	_ = 	snop  }
0x3c: {  	p2 =	seq.s32 s10, $0x1;
	s10 =	sld [smem:$0x3FB9]  }
0x3d: {  	_ =	shalt  }
0x3e: {  	_ =	shalt  }
0x3f: {  	_ =	shalt  }
0x40: {  	_ =	shalt  }
0x41: {  	_ =	shalt  }
0x42: {  	_ =	shalt  }
0x43: {  	_ =	shalt  }
0x44: {  	_ =	shalt  }
0x45: {  	_ =	shalt  }
0x46: {  	_ =	shalt  }
0x47: {  	_ =	shalt  }
0x48: {  	_ =	shalt  }
0x49: {  	_ =	shalt  }
0x4a: {  	_ =	shalt  }
0x4b: {  	_ =	shalt  }
0x4c: {  	_ =	shalt  }
0x4d: {  	_ =	shalt  }
0x4e: {  	_ =	shalt  }
0x4f: {  	_ =	shalt  }
0x50: {  	_ =	shalt  }
0x51: {  	_ =	shalt  }
0x52: {  	_ =	shalt  }
0x53: {  	_ =	shalt  }
0x54: {  	_ =	shalt  }
0x55: {  	_ =	shalt  }
0x56: {  	_ =	shalt  }
0x57: {  	_ =	shalt  }
0x58: {  	_ =	shalt  }
0x59: {  	_ =	shalt  }
0x5a: {  	_ =	shalt  }
0x5b: {  	_ =	shalt  }
0x5c: {  	_ =	shalt  }
0x5d: {  	_ =	shalt  }
0x5e: {  	_ =	shalt  }
0x5f: {  	_ =	shalt  }
0x60: {  	_ =	shalt  }
0x61: {  	_ =	shalt  }
0x62: {  	_ =	shalt  }
0x63: {  	_ =	shalt  }
0x64: {  	_ =	shalt  }
0x65: {  	_ =	shalt  }
0x66: {  	_ =	shalt  }
0x67: {  	_ =	shalt  }
0x68: {  	_ =	shalt  }
0x69: {  	_ =	shalt  }
0x6a: {  	_ =	shalt  }
0x6b: {  	_ =	shalt  }
0x6c: {  	_ =	shalt  }
0x6d: {  	_ =	shalt  }
0x6e: {  	_ =	shalt  }
0x6f: {  	_ =	shalt  }
0x70: {  	_ =	shalt  }
0x71: {  	_ =	shalt  }
0x72: {  	_ =	shalt  }
0x73: {  	_ =	shalt  }
0x74: {  	_ =	shalt  }
0x75: {  	_ =	shalt  }
0x76: {  	_ =	shalt  }
0x77: {  	_ =	shalt  }
0x78: {  	_ =	shalt  }
0x79: {  	_ =	shalt  }
0x7a: {  	_ =	shalt  }
0x7b: {  	_ =	shalt  }
0x7c: {  	_ =	shalt  }
0x7d: {  	_ =	shalt  }
0x7e: {  	_ =	shalt  }
0x7f: {  	_ =	shalt  }
0x80: {  	_ =	shalt  }
0x81: {  	_ =	shalt  }
0x82: {  	_ =	shalt  }
0x83: {  	_ =	shalt  }
0x84: {  	_ =	shalt  }
0x85: {  	_ =	shalt  }
0x86: {  	_ =	shalt  }
0x87: {  	_ =	shalt  }
.Lfunc_end0:
.L_simem_size_0:
called_computation_lowered:
.L_overlay_start_0:
0x88: {  	s2 =	sld [smem:$0x3FD9]  }
0x89: {  	s3 =	sld [smem:$0x3FFE];
	_ =	sdelay $0x1  }
0x8a: {  	s1 =	srdreg.scid  }
0x8b: {  	s0 =	sand.u32 $0x1, s1  }
0x8c: {  	s17 =	sshll.u32 s0, $0xA;
	s2 =	sadd.s32 s3, s2  }
0x8d: {  	s2 =	sadd.s32 s2, s17  }
0x8e: {  	[smem:$0x3FC5] =	sst s2  }
0x8f: {  	_ = 	snop  }
0x90: {  	s2 =	sld [smem:$0x3FC9]  }
0x91: {  	s18 =	sld [smem:$0x3FD0];
	(tm) =	ssettm $0x1  }
0x92: {  	s4 =	sld [smem:$0x3FFB];
	_ =	sdelay $0x3  }
0x93: {  	_ =	strace s4  }
0x94: {  	s4 =	sld [smem:$0x3FFC];
	_ =	sdelay $0x3  }
0x95: {  	_ =	strace s4  }
0x96: {  	s4 =	sld [smem:$0x3FFD];
	_ =	sdelay $0x3  }
0x97: {  	_ =	strace s4  }
0x98: {  	_ =	strace $0x8FFFFFFF  }
0x99: {  	s19 =	sld [smem:$0x3FDB];
	_ =	sdelay $0x1  }
0x9a: {  	s5 =	simm.s32 $_scs_section_size  }
0x9b: {  	s6 =	simm.s32 $_size__tile_overlayer_lowered;
	s7 =	simm.s32 $_tile_overlayer_lowered  }
0x9c: {  	s22 =	simm.s32 $0x1BFF;
	s21 =	sshll.u32 s7, $0x1;
	s4 =	sadd.s32 s5, s19  }
0x9d: {  	s8 =	simm.s32 $0x0;
	s20 =	sshll.u32 s6, $0x1;
	s6 =	sadd.s32 s21, s4  }
0x9e: {  	[timem:s8], [sflag:s22] =	dma.local [hbm:s6], s20  }
0x9f: {  	_ =	swait.ge [sflag:s22], s20  }
0xa0: {  	s5 =	ssub.s32 $0x0, s20;
	[sflag:s22] =	ssyncset.done $0x0  }
0xa1: {  	[sflag:s22] =	ssyncadd.s32 s5;
	_ =	sdelay $0x1  }
0xa2: {  	s23 =	simm.s32 $0x1B8B  }
0xa3: {  	_ =	swait.ge [sflag:s23], $0x1  }
0xa4: {  	[sflag:s23] =	ssyncset.done $0x0  }
0xa5: {  	s25 =	simm.s32 $0x1B8E;
	s24 =	sld [smem:$0x3FFE];
	[sflag:s23] =	ssyncadd.s32 $0xFFFFFFFF  }
0xa6: {  	s26 =	simm.s32 $execute0_lowered;
	[smem:$0x3FD2] =	sst s25  }
0xa7: {  	s6 =	sshll.u32 s26, $0x1;
	_ =	strace $0x80000046;
	[dreg:$0x1] =	wrdreg $0xFFFFFFFF  }
0xa8: {  	s28 =	simm.s32 $_size_execute0_lowered;
	s4 =	sadd.s32 s4, s6;
	[dreg:$0x0] =	wrdreg $0x0  }
0xa9: {  	s6 =	sshll.u32 s28, $0x1;
	[dreg:$0x2] =	wrdreg s4  }
0xaa: {  	[dreg:$0x3] =	wrdreg s6  }
0xab: {  	[dreg:$0x4] =	wrdreg $0xC0  }
0xac: {  	_ =	task [dreg:s8], $0x5FFFF  }
0xad: {  	[dreg:$0x1] =	wrdreg $0xFFFFFFFF  }
0xae: {  	[dreg:$0x0] =	wrdreg $0x60  }
0xaf: {  	[dreg:$0x2] =	wrdreg s2  }
0xb0: {  	[dreg:$0x3] =	wrdreg s24  }
0xb1: {  	[dreg:$0x4] =	wrdreg s18  }
0xb2: {  	[dreg:$0x5] =	wrdreg $0x9  }
0xb3: {  	_ =	task.clear_ibuf [dreg:s8], $0x6FFFF;
	_ =	strace $0x90000046  }
0xb4: {  	s29 =	simm.s32 $0x9;
	_ =	strace $0x80000048  }
0xb5: {  	_ =	swait.ge [sflag:s29], $0x1  }
0xb6: {  	[sflag:s29] =	ssyncadd.s32 $0xFFFFFFFF  }
0xb7: {  	_ =	strace $0x90000048  }
0xb8: {  	_ =	sfence  }
0xb9: {  	s30 =	sld [smem:$0x0];
	_ =	sdelay $0x2  }
0xba: {  	s31 =	sshll.u32 s1, $0xD;
	s1 =	sshrl.u32 s1, $0x2  }
0xbb: {  	s3 =	sand.u32 $0x4000, s31;
	s1 =	sadd.s32 s1, s30  }
0xbc: {  	s0 =	sor.u32 s3, s0;
	s1 =	sshll.u32 s1, $0x11  }
0xbd: {  	s0 =	sor.u32 s1, s0  }
0xbe: {  	s0 =	sadd.s32 $0x8F2B, s0  }
0xbf: {  	[sflag:s0] =	ssyncadd.remote.s32 $0x1  }
0xc0: {  	_ =	sfence.sel $0xFFFF  }
0xc1: {  	[dreg:$0x0] =	wrdreg $0xFFFFFFFF;
	(pc) =	sbr.abs _section_cstart, $3  }
0xc2: {  	[dreg:$0x1] =	wrdreg $0xFFFFFFFF  }
0xc3: {  	_ =	task.clear_ibuf [dreg:s8], $0x2FFFF;
	_ =	strace $0x9FFFFFFF  }
0xc4: {  	(tm) =	ssettm $0x7FFFFFFF  }
0xc5: {  	_ =	shalt  }
tec
execute0_lowered:
.L_overlay_start_1:
0x0: {  	(tag) =	ssettag $0x1  }
0x1: {  	s0 =	rddreg [dreg:$0x0]  }
0x2: {  	s1 =	rddreg [dreg:$0x1]  }
0x3: {  	s2 =	rddreg [dreg:$0x2]  }
0x4: {  	s3 =	simm.s32 $0x0;
	s4 =	srdreg.scid;
	s6 =	stileid.u32  }
0x5: {  	s11 =	simm.s32 $0xC00;
	s12 =	simm.s32 $0x5;
	s13 =	simm.s32 $0x2A80  }
0x6: {  	s14 =	simm.s32 $0x340;
	s15 =	simm.s32 $0x1000;
	s16 =	simm.s32 $0x1D00  }
0x7: {  	s17 =	simm.s32 $0x1340;
	s18 =	simm.s32 $0x2040;
	s19 =	simm.s32 $0x1680  }
0x8: {  	s20 =	simm.s32 $0x2380;
	s21 =	simm.s32 $0x19C0;
	s22 =	simm.s32 $0x26C0  }
0x9: {  	s23 =	simm.s32 $0x1;
	s24 =	simm.s32 $0x2;
	s25 =	simm.s32 $0x3  }
0xa: {  	s28 =	simm.s32 $0x2A00;
	s29 =	simm.s32 $0x0;
	[smem:$0x7FF] =	sst s3  }
0xb: {  	s5 =	sand.u32 $0x1, s4;
	s26 =	sshll.u32 s6, $0x1;
	s4 =	sadd.s32 $0x4F600, s1  }
0xc: {  	_ =	strace $0x80000047;
	s6 =	sor.u32 s5, s26;
	s7 =	ssub.s32 $0x2, s5  }
0xd: {  	s26 =	simm.s32 $0x4;
	s30 =	sshll.u32 s6, $0x7;
	s8 =	sshrl.u32 s7, $0x1  }
0xe: {  	s31 =	sshll.u32 s6, $0x4;
	s5 =	sadd.s32 s0, s30;
	s8 =	ssub.s32 s7, s8  }
0xf: {  	s7 =	sadd.s32 s2, s31;
	s6 =	sadd.s32 $0x3000, s5;
	s8 =	smax.u32 s8, $0x1  }
.LBB2_1:
0x10: {  	s0 =	simm.s32 $0x400;
	s2 =	simm.s32 $0x8000  }
0x11: {  	[tilespmem:s3], [sflag:$0x5] =	stream.strided.gather [hbm4b:s5+s0], $0xC00, s2, s0, $0x38;
	[tilespmem:$0x2B00] =	vst v63  }
0x12: {  	_ = 	snop  }
0x13: {  	[tilespmem:s11], [sflag:$0x5] =	stream.linear.gather [hbm4b:s6+s3], $0x100, $0x38;
	[tilespmem:$0x2B00] =	vst v63  }
0x14: {  	_ =	swait.ge [sflag:s12], $0xD00  }
0x15: {  	[sflag:s12] =	ssyncset.done $0x0  }
0x16: {  	[sflag:s12] =	ssyncadd.s32 $0xFFFFF300  }
0x17: {  	[tilespmem:s13], [sflag:$0x5] =	stream.linear.gather [hbm4b:s4+s3], $0x80, $0x38;
	[tilespmem:$0x2B00] =	vst v63  }
0x18: {  	_ =	swait.ge [sflag:s12], $0x80  }
0x19: {  	[sflag:s12] =	ssyncset.done $0x0  }
0x1a: {  	s10 =	simm.s32 $0x10;
	[sflag:s12] =	ssyncadd.s32 $0xFFFFFF80  }
0x1b: {  	v1 =	vld [tilespmem:s10+$0xFFFFFFF0];
	_ =	sdelay $0x4  }
0x1c: {  	s30 =	simm.s32 $0x1010;
	v1 =	vadd.s32 s3, v1  }
0x1d: {  	v0 =	vld [tilespmem:$0x2A80];
	[tilespmem:s30+$0xFFFFFFF0] =	vst v1  }
0x1e: {  	v1 =	vld [tilespmem:s10+$0x0];
	_ =	sdelay $0x4  }
0x1f: {  	v1 =	vadd.s32 s3, v1  }
0x20: {  	s31 =	simm.s32 $0x90;
	[tilespmem:s30+$0x0] =	vst v1  }
0x21: {  	s0 =	simm.s32 $0x186A0;
	s2 =	simm.s32 $0x30D40;
	v1 =	vld [tilespmem:s31+$0xFFFFFFF0]  }
.LBB2_2:
0x22: {  	p0 =	sne.s32 s2, $0x2625A0;
	_ =	sdelay $0x3  }
0x23: {  	s30 =	sadd.s32 $0x20, s30;
	v1 =	vadd.s32 s0, v1  }
0x24: {  	[tilespmem:s30+$0xFFFFFFF0] =	vst v1  }
0x25: {  	v1 =	vld [tilespmem:s31+$0x0];
	_ =	sdelay $0x2  }
.Ltmp0:
0x26: {  	(pc) =	sbr.rel @p0 .LBB2_2-.Ltmp0, $4  }
0x27: {  	_ = 	snop  }
0x28: {  	v1 =	vadd.s32 s0, v1;
	s0 =	smov.u32 s2  }
0x29: {  	s31 =	sadd.s32 $0x80, s31;
	[tilespmem:s30+$0x0] =	vst v1  }
0x2a: {  	s2 =	sadd.s32 $0x186A0, s2;
	v1 =	vld [tilespmem:s31+$0xFFFFFFF0]  }
0x2b: {  	_ =	sdelay $0x3  }
0x2c: {  	s2 =	sadd.s32 $0x20, s30;
	v1 =	vadd.s32 s0, v1  }
0x2d: {  	[tilespmem:s2+$0xFFFFFFF0] =	vst v1  }
0x2e: {  	v1 =	vld [tilespmem:s31+$0x0];
	_ =	sdelay $0x4  }
0x2f: {  	v1 =	vadd.s32 s0, v1  }
0x30: {  	s9 =	simm.s32 $0x30;
	[tilespmem:s2+$0x0] =	vst v1  }
0x31: {  	[tilespmem:s16], [sflag:$0x1] =	stream.indirect.gather [hbm4b:s1+s14], $0x1, s15, s14, $0xb8;
	[tilespmem:$0x2B00] =	vst v63  }
0x32: {  	v1 =	vld [tilespmem:s9+$0xFFFFFFF0];
	_ =	sdelay $0x3  }
0x33: {  	s10 =	simm.s32 $0x0  }
0x34: {  	s30 =	simm.s32 $0x1350;
	v1 =	vadd.s32 s10, v1  }
0x35: {  	[tilespmem:s30+$0xFFFFFFF0] =	vst v1  }
0x36: {  	v1 =	vld [tilespmem:s9+$0x0];
	_ =	sdelay $0x4  }
0x37: {  	v1 =	vadd.s32 s10, v1  }
0x38: {  	s31 =	simm.s32 $0xB0;
	[tilespmem:s30+$0x0] =	vst v1  }
0x39: {  	s0 =	simm.s32 $0x186A0;
	s2 =	simm.s32 $0x30D40;
	v1 =	vld [tilespmem:s31+$0xFFFFFFF0]  }
.LBB2_4:
0x3a: {  	p0 =	sne.s32 s2, $0x2625A0;
	_ =	sdelay $0x3  }
0x3b: {  	s30 =	sadd.s32 $0x20, s30;
	v1 =	vadd.s32 s0, v1  }
0x3c: {  	[tilespmem:s30+$0xFFFFFFF0] =	vst v1  }
0x3d: {  	v1 =	vld [tilespmem:s31+$0x0];
	_ =	sdelay $0x2  }
.Ltmp1:
0x3e: {  	(pc) =	sbr.rel @p0 .LBB2_4-.Ltmp1, $4  }
0x3f: {  	_ = 	snop  }
0x40: {  	v1 =	vadd.s32 s0, v1;
	s0 =	smov.u32 s2  }
0x41: {  	s31 =	sadd.s32 $0x80, s31;
	[tilespmem:s30+$0x0] =	vst v1  }
0x42: {  	s2 =	sadd.s32 $0x186A0, s2;
	v1 =	vld [tilespmem:s31+$0xFFFFFFF0]  }
0x43: {  	_ =	sdelay $0x3  }
0x44: {  	s2 =	sadd.s32 $0x20, s30;
	v1 =	vadd.s32 s0, v1  }
0x45: {  	[tilespmem:s2+$0xFFFFFFF0] =	vst v1  }
0x46: {  	v1 =	vld [tilespmem:s31+$0x0];
	_ =	sdelay $0x4  }
0x47: {  	v1 =	vadd.s32 s0, v1  }
0x48: {  	s30 =	simm.s32 $0x50;
	[tilespmem:s2+$0x0] =	vst v1  }
0x49: {  	[tilespmem:s18], [sflag:$0x2] =	stream.indirect.gather [hbm4b:s1+s14], $0x1, s17, s14, $0xb8;
	[tilespmem:$0x2B00] =	vst v63  }
0x4a: {  	v1 =	vld [tilespmem:s30+$0xFFFFFFF0];
	_ =	sdelay $0x3  }
0x4b: {  	s31 =	simm.s32 $0x0  }
0x4c: {  	s10 =	sand.u32 $0x3E0, s31;
	v1 =	vadd.s32 s31, v1  }
0x4d: {  	[tilespmem:s10+$0x1680] =	vst v1  }
0x4e: {  	v1 =	vld [tilespmem:s30+$0x0];
	_ =	sdelay $0x4  }
0x4f: {  	s0 =	simm.s32 $0x1690;
	s2 =	simm.s32 $0x186A0;
	v1 =	vadd.s32 s31, v1  }
.LBB2_6:
0x50: {  	[tilespmem:s0+$0x0] =	vst v1;
	s0 =	sadd.s32 $0x20, s0;
	s31 =	sadd.s32 $0x20, s31;
	s30 =	sadd.s32 $0x80, s30  }
0x51: {  	p0 =	sne.s32 s2, $0x2625A0;
	s9 =	smov.u32 s2;
	s2 =	sadd.s32 $0x186A0, s2;
	v1 =	vld [tilespmem:s30+$0xFFFFFFF0]  }
0x52: {  	_ =	sdelay $0x3  }
0x53: {  	s10 =	sand.u32 $0x3E0, s31;
	v1 =	vadd.s32 s9, v1  }
0x54: {  	[tilespmem:s10+$0x1680] =	vst v1  }
0x55: {  	v1 =	vld [tilespmem:s30+$0x0]  }
.Ltmp2:
0x56: {  	(pc) =	sbr.rel @p0 .LBB2_6-.Ltmp2, $2  }
0x57: {  	_ =	sdelay $0x2  }
0x58: {  	v1 =	vadd.s32 s9, v1  }
0x59: {  	[tilespmem:s0+$0x0] =	vst v1;
	s10 =	simm.s32 $0x70  }
0x5a: {  	[tilespmem:s20], [sflag:$0x3] =	stream.indirect.gather [hbm4b:s1+s14], $0x1, s19, s14, $0xb8;
	[tilespmem:$0x2B00] =	vst v63  }
0x5b: {  	v1 =	vld [tilespmem:s10+$0xFFFFFFF0];
	_ =	sdelay $0x3  }
0x5c: {  	s2 =	simm.s32 $0x0  }
0x5d: {  	s30 =	simm.s32 $0x19D0;
	v1 =	vadd.s32 s2, v1  }
0x5e: {  	[tilespmem:s30+$0xFFFFFFF0] =	vst v1  }
0x5f: {  	v1 =	vld [tilespmem:s10+$0x0];
	_ =	sdelay $0x4  }
0x60: {  	v1 =	vadd.s32 s2, v1  }
0x61: {  	s31 =	simm.s32 $0xF0;
	[tilespmem:s30+$0x0] =	vst v1  }
0x62: {  	s0 =	simm.s32 $0x186A0;
	s2 =	simm.s32 $0x30D40;
	v1 =	vld [tilespmem:s31+$0xFFFFFFF0]  }
.LBB2_8:
0x63: {  	p0 =	sne.s32 s2, $0x2625A0;
	_ =	sdelay $0x3  }
0x64: {  	s30 =	sadd.s32 $0x20, s30;
	v1 =	vadd.s32 s0, v1  }
0x65: {  	[tilespmem:s30+$0xFFFFFFF0] =	vst v1  }
0x66: {  	v1 =	vld [tilespmem:s31+$0x0];
	_ =	sdelay $0x2  }
.Ltmp3:
0x67: {  	(pc) =	sbr.rel @p0 .LBB2_8-.Ltmp3, $4  }
0x68: {  	_ = 	snop  }
0x69: {  	v1 =	vadd.s32 s0, v1;
	s0 =	smov.u32 s2  }
0x6a: {  	s31 =	sadd.s32 $0x80, s31;
	[tilespmem:s30+$0x0] =	vst v1  }
0x6b: {  	s2 =	sadd.s32 $0x186A0, s2;
	v1 =	vld [tilespmem:s31+$0xFFFFFFF0]  }
0x6c: {  	_ =	sdelay $0x3  }
0x6d: {  	s2 =	sadd.s32 $0x20, s30;
	v1 =	vadd.s32 s0, v1  }
0x6e: {  	[tilespmem:s2+$0xFFFFFFF0] =	vst v1  }
0x6f: {  	v1 =	vld [tilespmem:s31+$0x0];
	_ =	sdelay $0x4  }
0x70: {  	v1 =	vadd.s32 s0, v1  }
0x71: {  	[tilespmem:s2+$0x0] =	vst v1  }
0x72: {  	[tilespmem:s22], [sflag:$0x4] =	stream.indirect.gather [hbm4b:s1+s14], $0x1, s21, s14, $0xb8;
	[tilespmem:$0x2B00] =	vst v63  }
0x73: {  	_ =	swait.ge [sflag:s23], $0x340  }
0x74: {  	[sflag:s23] =	ssyncset.done $0x0  }
0x75: {  	s31 =	simm.s32 $0x0;
	[sflag:s23] =	ssyncadd.s32 $0xFFFFFCC0  }
0x76: {  	v1 =	vld [tilespmem:s31+$0x1D10]  }
0x77: {  	v2 =	vmov v0;
	v3 =	vmov v0;
	s0 =	simm.s32 $0x80;
	v4 =	vld [tilespmem:s31+$0x1D00]  }
.LBB2_10:
0x78: {  	p0 =	sne.s32 s0, $0xC80  }
.Ltmp4:
0x79: {  	_ = 	snop;
	(pc) =	sbr.rel @p0 .LBB2_10-.Ltmp4, $4  }
0x7a: {  	_ = 	snop  }
0x7b: {  	s2 =	sshra.s32 s0, $0x2;
	s0 =	sadd.s32 $0x80, s0;
	v2 =	vadd.f32 v1, v2  }
0x7c: {  	v1 =	vld [tilespmem:s2+$0x1D10];
	v3 =	vadd.f32 v4, v3  }
0x7d: {  	v4 =	vld [tilespmem:s2+$0x1D00]  }
0x7e: {  	_ =	sdelay $0x3  }
0x7f: {  	v3 =	vadd.f32 v4, v3;
	_ =	sdelay $0x1  }
0x80: {  	v3 =	vsub.f32 $0.0e+00, v3;
	_ =	sdelay $0x1  }
0x81: {  	v3 =	vmul.f32 $1.442695020e+00, v3;
	_ =	sdelay $0x1  }
0x82: {  	(erf) = vpow2.f32 v3;
	_ =	sdelay $0x6  }
0x83: {  	v1 =	vadd.f32 v1, v2;
	_ =	sdelay $0x1  }
0x84: {  	v1 =	vsub.f32 $0.0e+00, v1;
	v2 =	vpop (erf)  }
0x85: {  	v2 =	vadd.f32 $1.000000000e+00, v2  }
0x86: {  	v1 =	vmul.f32 $1.442695020e+00, v1  }
0x87: {  	(erf) = vrcp.f32 v2  }
0x88: {  	(erf) = vpow2.f32 v1;
	_ =	sdelay $0x7  }
0x89: {  	v1 =	vpop (erf)  }
0x8a: {  	v2 =	vpop (erf)  }
0x8b: {  	v2 =	vadd.f32 $1.000000000e+00, v2;
	_ =	sdelay $0x1  }
0x8c: {  	(erf) = vrcp.f32 v2;
	_ =	sdelay $0x8  }
0x8d: {  	[tilespmem:$0x2A00] =	vst v1;
	v1 =	vpop (erf)  }
0x8e: {  	[tilespmem:$0x2A10] =	vst v1  }
0x8f: {  	_ =	swait.ge [sflag:s24], $0x340  }
0x90: {  	[sflag:s24] =	ssyncset.done $0x0  }
0x91: {  	s2 =	simm.s32 $0x0;
	[sflag:s24] =	ssyncadd.s32 $0xFFFFFCC0  }
0x92: {  	v1 =	vld [tilespmem:s2+$0x2050]  }
0x93: {  	s0 =	simm.s32 $0x80;
	v3 =	vmov v0;
	v2 =	vmov v0;
	v4 =	vld [tilespmem:s2+$0x2040]  }
.LBB2_12:
0x94: {  	p0 =	sne.s32 s0, $0xC80  }
.Ltmp5:
0x95: {  	_ = 	snop;
	(pc) =	sbr.rel @p0 .LBB2_12-.Ltmp5, $4  }
0x96: {  	_ = 	snop  }
0x97: {  	s2 =	sshra.s32 s0, $0x2;
	s0 =	sadd.s32 $0x80, s0;
	v2 =	vadd.f32 v1, v2  }
0x98: {  	v1 =	vld [tilespmem:s2+$0x2050];
	v3 =	vadd.f32 v4, v3  }
0x99: {  	v4 =	vld [tilespmem:s2+$0x2040]  }
0x9a: {  	_ =	sdelay $0x3  }
0x9b: {  	v3 =	vadd.f32 v4, v3;
	_ =	sdelay $0x1  }
0x9c: {  	v3 =	vsub.f32 $0.0e+00, v3;
	_ =	sdelay $0x1  }
0x9d: {  	v3 =	vmul.f32 $1.442695020e+00, v3;
	_ =	sdelay $0x1  }
0x9e: {  	(erf) = vpow2.f32 v3;
	_ =	sdelay $0x6  }
0x9f: {  	v1 =	vadd.f32 v1, v2;
	_ =	sdelay $0x1  }
0xa0: {  	v1 =	vsub.f32 $0.0e+00, v1;
	v2 =	vpop (erf)  }
0xa1: {  	v2 =	vadd.f32 $1.000000000e+00, v2  }
0xa2: {  	v1 =	vmul.f32 $1.442695020e+00, v1  }
0xa3: {  	(erf) = vrcp.f32 v2  }
0xa4: {  	(erf) = vpow2.f32 v1;
	_ =	sdelay $0x7  }
0xa5: {  	v1 =	vpop (erf)  }
0xa6: {  	v2 =	vpop (erf)  }
0xa7: {  	v2 =	vadd.f32 $1.000000000e+00, v2;
	_ =	sdelay $0x1  }
0xa8: {  	(erf) = vrcp.f32 v2;
	_ =	sdelay $0x8  }
0xa9: {  	[tilespmem:$0x2A20] =	vst v1;
	v1 =	vpop (erf)  }
0xaa: {  	[tilespmem:$0x2A30] =	vst v1  }
0xab: {  	_ =	swait.ge [sflag:s25], $0x340  }
0xac: {  	[sflag:s25] =	ssyncset.done $0x0  }
0xad: {  	s0 =	simm.s32 $0x0;
	s2 =	simm.s32 $0x2390;
	[sflag:s25] =	ssyncadd.s32 $0xFFFFFCC0  }
0xae: {  	s9 =	sand.u32 $0x3E0, s0;
	v1 =	vld [tilespmem:s2+$0x0]  }
0xaf: {  	v4 =	vld [tilespmem:s9+$0x2380];
	_ =	sdelay $0x3  }
0xb0: {  	s0 =	simm.s32 $0x20;
	v3 =	vmov v0;
	v2 =	vmov v0;
	s2 =	simm.s32 $0x23B0  }
.LBB2_14:
0xb1: {  	s9 =	sand.u32 $0x3E0, s0;
	p0 =	sne.s32 s0, $0x320;
	s0 =	sadd.s32 $0x20, s0;
	v3 =	vadd.f32 v4, v3;
	v2 =	vadd.f32 v1, v2;
	v1 =	vld [tilespmem:s2+$0x0]  }
.Ltmp6:
0xb2: {  	v4 =	vld [tilespmem:s9+$0x2380];
	(pc) =	sbr.rel @p0 .LBB2_14-.Ltmp6, $2  }
0xb3: {  	_ =	sdelay $0x2  }
0xb4: {  	s2 =	sadd.s32 $0x20, s2  }
0xb5: {  	v3 =	vadd.f32 v4, v3;
	_ =	sdelay $0x1  }
0xb6: {  	v3 =	vsub.f32 $0.0e+00, v3;
	_ =	sdelay $0x1  }
0xb7: {  	v3 =	vmul.f32 $1.442695020e+00, v3;
	_ =	sdelay $0x1  }
0xb8: {  	(erf) = vpow2.f32 v3;
	_ =	sdelay $0x6  }
0xb9: {  	v1 =	vadd.f32 v1, v2;
	_ =	sdelay $0x1  }
0xba: {  	v1 =	vsub.f32 $0.0e+00, v1;
	v2 =	vpop (erf)  }
0xbb: {  	v2 =	vadd.f32 $1.000000000e+00, v2  }
0xbc: {  	v1 =	vmul.f32 $1.442695020e+00, v1  }
0xbd: {  	(erf) = vrcp.f32 v2  }
0xbe: {  	(erf) = vpow2.f32 v1;
	_ =	sdelay $0x7  }
0xbf: {  	v1 =	vpop (erf)  }
0xc0: {  	v2 =	vpop (erf)  }
0xc1: {  	v2 =	vadd.f32 $1.000000000e+00, v2;
	_ =	sdelay $0x1  }
0xc2: {  	(erf) = vrcp.f32 v2;
	_ =	sdelay $0x8  }
0xc3: {  	[tilespmem:$0x2A40] =	vst v1;
	v1 =	vpop (erf)  }
0xc4: {  	[tilespmem:$0x2A50] =	vst v1  }
0xc5: {  	_ =	swait.ge [sflag:s26], $0x340  }
0xc6: {  	[sflag:s26] =	ssyncset.done $0x0  }
0xc7: {  	s2 =	simm.s32 $0x0;
	[sflag:s26] =	ssyncadd.s32 $0xFFFFFCC0  }
0xc8: {  	v1 =	vld [tilespmem:s2+$0x26D0]  }
0xc9: {  	s0 =	simm.s32 $0x80;
	v2 =	vmov v0;
	v3 =	vld [tilespmem:s2+$0x26C0]  }
.LBB2_16:
0xca: {  	p0 =	sne.s32 s0, $0xC80  }
.Ltmp7:
0xcb: {  	_ = 	snop;
	(pc) =	sbr.rel @p0 .LBB2_16-.Ltmp7, $4  }
0xcc: {  	_ = 	snop  }
0xcd: {  	s2 =	sshra.s32 s0, $0x2;
	s0 =	sadd.s32 $0x80, s0;
	v0 =	vadd.f32 v1, v0  }
0xce: {  	v1 =	vld [tilespmem:s2+$0x26D0];
	v2 =	vadd.f32 v3, v2  }
0xcf: {  	v3 =	vld [tilespmem:s2+$0x26C0]  }
0xd0: {  	_ =	sdelay $0x3  }
0xd1: {  	v2 =	vadd.f32 v3, v2;
	_ =	sdelay $0x1  }
0xd2: {  	v2 =	vsub.f32 $0.0e+00, v2;
	_ =	sdelay $0x1  }
0xd3: {  	v2 =	vmul.f32 $1.442695020e+00, v2;
	_ =	sdelay $0x1  }
0xd4: {  	(erf) = vpow2.f32 v2;
	_ =	sdelay $0x6  }
0xd5: {  	v0 =	vadd.f32 v1, v0;
	_ =	sdelay $0x1  }
0xd6: {  	v0 =	vsub.f32 $0.0e+00, v0;
	v60 =	vpop (erf)  }
0xd7: {  	v1 =	vadd.f32 $1.000000000e+00, v60  }
0xd8: {  	v0 =	vmul.f32 $1.442695020e+00, v0  }
0xd9: {  	(erf) = vrcp.f32 v1  }
0xda: {  	(erf) = vpow2.f32 v0;
	_ =	sdelay $0x7  }
0xdb: {  	v61 =	vpop (erf)  }
0xdc: {  	v62 =	vpop (erf)  }
0xdd: {  	v1 =	vadd.f32 $1.000000000e+00, v62;
	_ =	sdelay $0x1  }
0xde: {  	(erf) = vrcp.f32 v1;
	_ =	sdelay $0x7  }
0xdf: {  	s29 =	sadd.s32 $0x1, s29  }
0xe0: {  	p0 =	sne.s32 s29, s8;
	[tilespmem:$0x2A60] =	vst v61;
	v63 =	vpop (erf)  }
.Ltmp8:
0xe1: {  	[tilespmem:$0x2A70] =	vst v63;
	(pc) =	sbr.rel @p0 .LBB2_1-.Ltmp8, $4  }
0xe2: {  	[hbm4b:s7+s3] =	stream.linear.scatter [tilespmem:s28], [sflag:$0x5], $0x80, $0x38;
	[tilespmem:$0x2B00] =	vst v63  }
0xe3: {  	_ =	swait.ge [sflag:s12], $0x80  }
0xe4: {  	[sflag:s12] =	ssyncset.done $0x0  }
0xe5: {  	[sflag:s12] =	ssyncadd.s32 $0xFFFFFF80  }
0xe6: {  	_ =	sfence.sel $0x180000  }
0xe7: {  	[bflag:$0x0] =	sbarrier.arrive $0xFFFF  }
0xe8: {  	_ =	strace $0x90000047  }
0xe9: {  	s0 =	stileid.u32;
	[bflag:$0x2] =	sbarrier.arrive $0xFFFF  }
0xea: {  	p0 =	sne.s32 s0, $0x0;
	s0 =	rddreg [dreg:$0x3]  }
0xeb: {  	s0 =	sadd.s32 @!p0 $0x100000, s0  }
0xec: {  	[sflag:s0] =	ssyncadd.tile.s32 @!p0 $0x1;
	_ =	shalt  }
.Lfunc_end2:
_tile_overlayer_lowered:
.L_overlay_start_2:
0xed: {  	(tag) =	ssettag $0x2  }
0xee: {  	s0 =	rddreg [dreg:$0x0];
	s2 =	stileid.u32  }
0xef: {  	s1 =	rddreg [dreg:$0x1];
	p0 =	sne.s32 s2, $0x0  }
0xf0: {  	s3 =	rddreg [dreg:$0x2];
	[bflag:$0x3] =	sbarrier.arrive $0xFFFF;
	s2 =	simm.s32 @!p0 $0x1C05  }
0xf1: {  	[timem:s3], [sflag:s2] =	dma.local @!p0 [hbm:s0], s1  }
0xf2: {  	s0 =	simm.s32 @!p0 $0x5  }
0xf3: {  	_ =	swait.ge @!p0 [sflag:s0], s1  }
0xf4: {  	s1 =	ssub.s32 @!p0 $0x0, s1;
	[sflag:s0] =	ssyncset.done @!p0 $0x0  }
0xf5: {  	[sflag:s0] =	ssyncadd.s32 @!p0 s1  }
0xf6: {  	[bflag:$0x3] =	sbarrier.arrive $0xFFFF  }
0xf7: {  	_ =	shalt  }

</sc_bundles>
